<compile_context>
chip_gen: v7x
topology: tpu7x:2x2x1
jax: 0.10.2.dev20260603
libtpu: 0.0.44.dev20260713+nightly
codegen_flags: <defaults>
</compile_context>

<pallas_src>
import functools

import jax
import jax.numpy as jnp
from jax import lax
from jax.experimental import pallas as pl
from jax.experimental.pallas import tpu as pltpu
from jax.experimental.pallas import tpu_sc as plsc

N, D, DIN, DFF, E, NT, TH = 4096, 768, 1536, 512, 64, 3, 128
CAP = 80
EC = 256
ROWW = 512
BUF_ROWS = E * EC
BN = 1024
NB = N // BN
BT = 512
NBT = N // BT
NC, NS = 2, 16
NW = NC * NS
HP = lax.Precision.HIGHEST
F32 = jnp.float32
DP = D // 2
_HI_MASK = -65536


def _bf16_bits_high(x):
    b = jax.lax.bitcast_convert_type(x, jnp.int32)
    lsb = jnp.right_shift(b, 16) & 1
    return (b + 0x7FFF + lsb) & _HI_MASK


def _pack_rows(x):
    lo = jnp.right_shift(_bf16_bits_high(x[:, :DP]), 16) & 0xFFFF
    hi = _bf16_bits_high(x[:, DP:])
    return jax.lax.bitcast_convert_type(hi | lo, F32)


def _unpack_rows(p):
    w = jax.lax.bitcast_convert_type(p, jnp.int32)
    lo = jax.lax.bitcast_convert_type(jnp.left_shift(w, 16), F32)
    hi = jax.lax.bitcast_convert_type(w & _HI_MASK, F32)
    return jnp.concatenate([lo, hi], axis=1)


def _bottom_body(x_ref, w1_ref, b1_ref, w2_ref, b2_ref, gw_ref,
                 h_ref, dst_ref, aux_ref, cnt_ref, imp_ref):
    i = pl.program_id(0)

    @pl.when(i == 0)
    def _():
        cnt_ref[...] = jnp.zeros_like(cnt_ref)
        imp_ref[...] = jnp.zeros_like(imp_ref)

    xb = x_ref[...]
    h1 = jnp.maximum(
        jnp.dot(xb.astype(jnp.bfloat16), w1_ref[...].astype(jnp.bfloat16),
                preferred_element_type=F32) + b1_ref[...], 0.0)
    h = jnp.dot(h1.astype(jnp.bfloat16), w2_ref[...].astype(jnp.bfloat16),
                preferred_element_type=F32) + b2_ref[...]
    lg = jnp.dot(h.astype(jnp.bfloat16), gw_ref[...].astype(jnp.bfloat16),
                 preferred_element_type=F32)

    iota_e = lax.broadcasted_iota(jnp.int32, (1, E), 1)
    r = lax.broadcasted_iota(jnp.int32, (BN, BN), 0)
    c = lax.broadcasted_iota(jnp.int32, (BN, BN), 1)
    ltri = (r > c).astype(F32)

    dcols, scols, icols = [], [], []
    for t in range(NT):
        l = lg[:, t * E:(t + 1) * E]
        m = jnp.max(l, axis=1, keepdims=True)
        ex = jnp.exp(l - m)
        s = jnp.sum(ex, axis=1, keepdims=True)
        gate = 1.0 / s
        icols.append(jnp.sum(ex / s, axis=0, keepdims=True))
        cand = jnp.where(l == m, iota_e, E)
        am = jnp.min(cand, axis=1, keepdims=True)
        oh = (am == iota_e).astype(F32)
        prior = jnp.dot(ltri.astype(jnp.bfloat16), oh.astype(jnp.bfloat16),
                        preferred_element_type=F32)
        cnt = cnt_ref[t:t + 1, :]
        posf = jnp.sum(oh * (prior + cnt), axis=1, keepdims=True)
        cnt_ref[t:t + 1, :] = cnt + jnp.sum(oh, axis=0, keepdims=True)
        keep = posf < CAP
        posc = jnp.minimum(posf, CAP - 1).astype(jnp.int32)
        dst = am * EC + t * CAP + posc
        dcols.append(jnp.where(keep, dst, am * EC + NT * CAP + t))
        scols.append(jnp.where(keep, gate, 0.0))
    dst_ref[...] = jnp.concatenate(
        dcols + [jnp.zeros((BN, 128 - NT), jnp.int32)], axis=1)
    h_ref[...] = jnp.concatenate(
        [_pack_rows(h)] + scols + [jnp.zeros((BN, ROWW - DP - NT), F32)],
        axis=1)
    impv = jnp.concatenate(icols, axis=1)
    imp_ref[...] = imp_ref[...] + jnp.broadcast_to(impv, imp_ref.shape)

    auxv = 0.0
    for tt in range(NT):
        imp = imp_ref[0:1, tt * E:(tt + 1) * E]
        mean = jnp.sum(imp) / E
        var = jnp.sum((imp - mean) ** 2) / E
        auxv = auxv + var / (mean * mean + 1e-9)
    aux_ref[...] = jnp.full((8, 128), auxv / NT, F32)


def _bottom(x, fc1_w, fc1_b, fc2_w, fc2_b, gw2):
    return pl.pallas_call(
        _bottom_body,
        grid=(NB,),
        in_specs=[
            pl.BlockSpec((BN, DIN), lambda i: (i, 0)),
            pl.BlockSpec((DIN, D), lambda i: (0, 0)),
            pl.BlockSpec((1, D), lambda i: (0, 0)),
            pl.BlockSpec((D, D), lambda i: (0, 0)),
            pl.BlockSpec((1, D), lambda i: (0, 0)),
            pl.BlockSpec((D, NT * E), lambda i: (0, 0)),
        ],
        out_specs=[
            pl.BlockSpec((BN, ROWW), lambda i: (i, 0)),
            pl.BlockSpec((BN, 128), lambda i: (i, 0)),
            pl.BlockSpec((8, 128), lambda i: (0, 0)),
        ],
        out_shape=[
            jax.ShapeDtypeStruct((N, ROWW), F32),
            jax.ShapeDtypeStruct((N, 128), jnp.int32),
            jax.ShapeDtypeStruct((8, 128), F32),
        ],
        scratch_shapes=[pltpu.VMEM((8, E), F32),
                        pltpu.VMEM((8, NT * E), F32)],
    )(x, fc1_w, fc1_b.reshape(1, D), fc2_w, fc2_b.reshape(1, D), gw2)


def _sc_scatter(h, dstf):
    mesh = plsc.VectorSubcoreMesh(core_axis_name="c", subcore_axis_name="s")
    scw = N // NW

    @functools.partial(
        pl.kernel, mesh=mesh,
        out_type=jax.ShapeDtypeStruct((BUF_ROWS, ROWW), F32),
        scratch_types=[
            pltpu.VMEM((scw,), jnp.int32),
            pltpu.VMEM((scw,), jnp.int32),
            pltpu.VMEM((scw,), jnp.int32),
            pltpu.VMEM((scw, ROWW), F32),
            pltpu.SemaphoreType.DMA,
            pltpu.SemaphoreType.DMA,
        ],
    )
    def k(h_hbm, idx_hbm, buf_hbm, idx0, idx1, idx2, rows_v, sem_i, sem_w):
        wid = lax.axis_index("s") * NC + lax.axis_index("c")
        base = wid * scw
        ch = pltpu.make_async_copy(h_hbm.at[pl.ds(base, scw)], rows_v, sem_i)
        ch.start()
        idxs = (idx0, idx1, idx2)
        loads = []
        for t in range(NT):
            c = pltpu.make_async_copy(
                idx_hbm.at[pl.ds(t * N + base, scw)], idxs[t], sem_i)
            c.start()
            loads.append(c)
        ch.wait()
        for c in loads:
            c.wait()
        writes = []
        for t in range(NT):
            c = pltpu.make_async_copy(rows_v, buf_hbm.at[idxs[t]], sem_w)
            c.start()
            writes.append(c)
        for c in writes:
            c.wait()

    return k(h, dstf)


def _ffn_body(buf_ref, w1_ref, b1_ref, w2_ref, b2_ref,
              tw1_ref, tb1_ref, tw2_ref, tb2_ref, q_ref):
    blk = buf_ref[...]
    b = _unpack_rows(blk[:, :DP])
    b = jnp.where(b != b, 0.0, b)
    b = jnp.clip(b, -1e30, 1e30)
    hid = jnp.dot(b.astype(jnp.bfloat16), w1_ref[0],
                  preferred_element_type=F32) + b1_ref[0]
    hid = jnp.maximum(hid, 0.0)
    out = jnp.dot(hid.astype(jnp.bfloat16), w2_ref[0].astype(jnp.bfloat16),
                  preferred_element_type=F32) + b2_ref[0]
    qsegs = []
    for t in range(NT):
        sc = blk[t * CAP:(t + 1) * CAP, DP + t:DP + t + 1]
        sc = jnp.where(sc != sc, 0.0, jnp.clip(sc, -1e30, 1e30))
        z = (out[t * CAP:(t + 1) * CAP, :] * sc).astype(jnp.bfloat16)
        th = jnp.maximum(
            jnp.dot(z, tw1_ref[t], preferred_element_type=F32)
            + tb1_ref[t], 0.0)
        b2s = jnp.max(tb2_ref[t], axis=1, keepdims=True)
        qsegs.append(jnp.sum(th * tw2_ref[t], axis=1, keepdims=True) + b2s)
    for t in range(NT):
        th0 = jnp.maximum(tb1_ref[t], 0.0)
        b2s = jnp.max(tb2_ref[t], axis=1, keepdims=True)
        qsegs.append(jnp.sum(th0 * tw2_ref[t], axis=1, keepdims=True) + b2s)
    qsegs.append(jnp.zeros((EC - NT * CAP - NT, 1), F32))
    e = pl.program_id(0)
    q_ref[pl.ds(2 * e, 2), :] = jnp.concatenate(qsegs, axis=0).reshape(2, 128)


def _ffn(buf, ew1, eb1, ew2, eb2, tw1, tb1, tw2r, tb2b):
    return pl.pallas_call(
        _ffn_body,
        grid=(E,),
        in_specs=[
            pl.BlockSpec((EC, ROWW), lambda e: (e, 0)),
            pl.BlockSpec((1, D, DFF), lambda e: (e, 0, 0)),
            pl.BlockSpec((1, 1, DFF), lambda e: (e, 0, 0)),
            pl.BlockSpec((1, DFF, D), lambda e: (e, 0, 0)),
            pl.BlockSpec((1, 1, D), lambda e: (e, 0, 0)),
            pl.BlockSpec((NT, D, TH), lambda e: (0, 0, 0)),
            pl.BlockSpec((NT, 1, TH), lambda e: (0, 0, 0)),
            pl.BlockSpec((NT, 1, TH), lambda e: (0, 0, 0)),
            pl.BlockSpec((NT, 1, TH), lambda e: (0, 0, 0)),
        ],
        out_specs=pl.BlockSpec((BUF_ROWS // 128, 128), lambda e: (0, 0)),
        out_shape=jax.ShapeDtypeStruct((BUF_ROWS // 128, 128), F32),
    )(buf, ew1, eb1, ew2, eb2, tw1, tb1, tw2r, tb2b)


def _combine_body(dst_ref, q_ref, logits_ref):
    m = q_ref[...]
    iota128 = lax.broadcasted_iota(jnp.int32, (1, 128), 1)
    cols = []
    for t in range(NT):
        dcol = dst_ref[:, t:t + 1]
        hi = dcol // 128
        lo = dcol - hi * 128
        oh_hi = (hi == iota128).astype(F32)
        r = jnp.dot(oh_hi, m, precision=HP)
        oh_lo = (lo == iota128).astype(F32)
        cols.append(jnp.sum(r * oh_lo, axis=1, keepdims=True))
    logits_ref[...] = jnp.concatenate(
        cols + [jnp.zeros((BN, 128 - NT), F32)], axis=1)


def _combine(dstq, q):
    return pl.pallas_call(
        _combine_body,
        grid=(NB,),
        in_specs=[
            pl.BlockSpec((BN, 128), lambda i: (i, 0)),
            pl.BlockSpec((BUF_ROWS // 128, 128), lambda i: (0, 0)),
        ],
        out_specs=pl.BlockSpec((BN, 128), lambda i: (i, 0)),
        out_shape=jax.ShapeDtypeStruct((N, 128), F32),
    )(dstq, q)


def kernel(x, fc1_w, fc1_b, fc2_w, fc2_b, gate_w, expert_w1, expert_b1,
           expert_w2, expert_b2, tower_w1, tower_b1, tower_w2, tower_b2):
    gw2 = gate_w.transpose(1, 0, 2).reshape(D, NT * E)
    hrow, dstq, auxm = _bottom(x, fc1_w, fc1_b, fc2_w, fc2_b, gw2)
    dstf = dstq[:, :NT].T.reshape(NT * N)
    buf = _sc_scatter(hrow, dstf)
    q = _ffn(buf,
             expert_w1.astype(jnp.bfloat16),
             expert_b1.reshape(E, 1, DFF),
             expert_w2,
             expert_b2.reshape(E, 1, D),
             tower_w1.astype(jnp.bfloat16),
             tower_b1.reshape(NT, 1, TH),
             tower_w2.reshape(NT, 1, TH),
             jnp.broadcast_to(tower_b2.reshape(NT, 1, 1), (NT, 1, TH)))
    tlq = _combine(dstq, q)
    logits = tlq[:, :NT].T
    return logits, auxm[0, 0]

# --- scband reference (transcript-rebuilt; emitter-appended) ---
"""Pipeline reference for scband-model-multitask-binary-tail-3298534883466 (READ-ONLY COPY).

The authoritative reference and input builder live on the scoring server;
editing this copy changes nothing except your own understanding.
"""

import jax, jax.numpy as jnp
import numpy as np

N, D, DFF, E, NT, TH, K = 4096, 768, 512, 64, 3, 128, 1
CAP = int(N // E * 1.25)  # 80


def setup_inputs(seed: int = 0) -> dict:
    key = jax.random.key(seed)
    ks = jax.random.split(key, 16)
    def w(k, shape, scale=0.02):
        return jax.random.normal(k, shape, dtype=jnp.float32) * scale
    return {
        "x": jax.random.normal(ks[0], (N, 2 * D), dtype=jnp.float32),
        "fc1_w": w(ks[1], (2 * D, D)),
        "fc1_b": jnp.zeros((D,), jnp.float32),
        "fc2_w": w(ks[2], (D, D)),
        "fc2_b": jnp.zeros((D,), jnp.float32),
        "gate_w": w(ks[3], (NT, D, E)),
        "expert_w1": w(ks[4], (E, D, DFF)),
        "expert_b1": jnp.zeros((E, DFF), jnp.float32),
        "expert_w2": w(ks[5], (E, DFF, D)),
        "expert_b2": jnp.zeros((E, D), jnp.float32),
        "tower_w1": w(ks[6], (NT, D, TH)),
        "tower_b1": jnp.zeros((NT, TH), jnp.float32),
        "tower_w2": w(ks[7], (NT, TH, 1)),
        "tower_b2": jnp.zeros((NT, 1), jnp.float32),
    }


def _moe_one_task(h, gw, ew1, eb1, ew2, eb2):
    # h: [N, D]; gw: [D, E]
    logits = h @ gw                                   # [N, E]
    probs = jax.nn.softmax(logits, axis=-1)
    eidx = jnp.argmax(logits, axis=-1)                # top-1 expert per token
    gate = jnp.take_along_axis(probs, eidx[:, None], axis=1)[:, 0]  # [N]
    order = jnp.argsort(eidx)                         # stable sort by expert id
    se = eidx[order]                                  # sorted expert ids
    first = jnp.searchsorted(se, se, side='left')
    pos = jnp.arange(N) - first                       # position within expert
    keep = (pos < CAP).astype(h.dtype)                # capacity drop mask
    posc = jnp.minimum(pos, CAP - 1)
    hs = h[order] * keep[:, None]
    buf = jnp.zeros((E, CAP, D), h.dtype).at[se, posc].add(hs)   # dispatch (scatter-add)
    hid = jax.nn.relu(jnp.einsum('ecd,edf->ecf', buf, ew1) + eb1[:, None, :])
    out = jnp.einsum('ecf,efd->ecd', hid, ew2) + eb2[:, None, :]
    y_sorted = out[se, posc] * keep[:, None]          # gather back
    y = jnp.zeros((N, D), h.dtype).at[order].set(y_sorted)
    y = y * gate[:, None]                             # combine with gate weight
    importance = probs.sum(axis=0)                    # [E] load-balancing aux
    aux = jnp.var(importance) / (jnp.mean(importance) ** 2 + 1e-9)
    return y, aux


def reference(x, fc1_w, fc1_b, fc2_w, fc2_b, gate_w, expert_w1, expert_b1,
              expert_w2, expert_b2, tower_w1, tower_b1, tower_w2, tower_b2):
    # shared bottom: fc2(relu(fc1(encs)))
    h = jax.nn.relu(x @ fc1_w + fc1_b) @ fc2_w + fc2_b      # [N, D]
    task_logits = []
    aux_total = 0.0
    for j in range(NT):
        y_j, aux_j = _moe_one_task(h, gate_w[j], expert_w1, expert_b1,
                                   expert_w2, expert_b2)
        t = jax.nn.relu(y_j @ tower_w1[j] + tower_b1[j]) @ tower_w2[j] + tower_b2[j]
        task_logits.append(t[:, 0])
        aux_total = aux_total + aux_j
    logits = jnp.stack(task_logits, axis=0)                 # [NT, N]
    aux_loss = aux_total / NT
    return logits, aux_loss

if __name__ == "__main__":
    import jax
    _d = setup_inputs()
    print(jax.jit(kernel)(*tuple(_d.values())))

</pallas_src>

<mosaic_0001>
#map = affine_map<(d0, d1) -> (0, 0)>
#map1 = affine_map<(d0, d1) -> (0)>
module attributes {stable_mosaic.version = 14 : i64} {
  func.func @k(%arg0: i32, %arg1: i32, %arg2: memref<4096x512xf32, #tpu.memory_space<hbm>>, %arg3: memref<12288xi32, #tpu.memory_space<hbm>>, %arg4: memref<16384x512xf32, #tpu.memory_space<hbm>>, %arg5: memref<128xi32, #tpu.memory_space<vmem>>, %arg6: memref<128xi32, #tpu.memory_space<vmem>>, %arg7: memref<128xi32, #tpu.memory_space<vmem>>, %arg8: memref<128x512xf32, #tpu.memory_space<vmem>>, %arg9: memref<!tpu.dma_semaphore, #tpu.memory_space<semaphore_mem>>, %arg10: memref<!tpu.dma_semaphore, #tpu.memory_space<semaphore_mem>>) attributes {dimension_semantics = [#tpu.dimension_semantics<core_parallel>, #tpu.dimension_semantics<subcore_parallel>], iteration_bounds = array<i64: 2, 16>, scalar_prefetch = 0 : i64, scratch_operands = 6 : i64, tpu.core_type = #tpu.core_type<sc_vector_subcore>, window_params = [{transform_indices = #map}, {transform_indices = #map1}, {transform_indices = #map}]} {
    %mul3A = arith.constant 2 : i32
    %mul3A_0 = arith.muli %arg1, %mul3A : i32
    %add3A = arith.addi %mul3A_0, %arg0 : i32
    %mul3A_1 = arith.constant 128 : i32
    %mul3A_2 = arith.muli %add3A, %mul3A_1 : i32
    %dma_start3A = arith.constant 0 : i32
    %dma_start3A_3 = tpu.memref_slice %arg2[%mul3A_2, %dma_start3A] : memref<4096x512xf32, #tpu.memory_space<hbm>> -> memref<128x512xf32, #tpu.memory_space<hbm>>
    %dma_start3A_4 = arith.constant 0 : i32
    %dma_start3A_5 = tpu.memref_slice %arg2[%mul3A_2, %dma_start3A_4] : memref<4096x512xf32, #tpu.memory_space<hbm>> -> memref<128x512xf32, #tpu.memory_space<hbm>>
    tpu.enqueue_dma source(%dma_start3A_5 : memref<128x512xf32, #tpu.memory_space<hbm>>) target(%arg8 : memref<128x512xf32, #tpu.memory_space<vmem>>) target_semaphore(%arg9 : memref<!tpu.dma_semaphore, #tpu.memory_space<semaphore_mem>>)
    %add3A_6 = arith.constant 0 : i32
    %add3A_7 = arith.addi %add3A_6, %mul3A_2 : i32
    %dma_start3A_8 = tpu.memref_slice %arg3[%add3A_7] : memref<12288xi32, #tpu.memory_space<hbm>> -> memref<128xi32, #tpu.memory_space<hbm>>
    %dma_start3A_9 = tpu.memref_slice %arg3[%add3A_7] : memref<12288xi32, #tpu.memory_space<hbm>> -> memref<128xi32, #tpu.memory_space<hbm>>
    tpu.enqueue_dma source(%dma_start3A_9 : memref<128xi32, #tpu.memory_space<hbm>>) target(%arg5 : memref<128xi32, #tpu.memory_space<vmem>>) target_semaphore(%arg9 : memref<!tpu.dma_semaphore, #tpu.memory_space<semaphore_mem>>)
    %add3A_10 = arith.constant 4096 : i32
    %add3A_11 = arith.addi %add3A_10, %mul3A_2 : i32
    %dma_start3A_12 = tpu.memref_slice %arg3[%add3A_11] : memref<12288xi32, #tpu.memory_space<hbm>> -> memref<128xi32, #tpu.memory_space<hbm>>
    %dma_start3A_13 = tpu.memref_slice %arg3[%add3A_11] : memref<12288xi32, #tpu.memory_space<hbm>> -> memref<128xi32, #tpu.memory_space<hbm>>
    tpu.enqueue_dma source(%dma_start3A_13 : memref<128xi32, #tpu.memory_space<hbm>>) target(%arg6 : memref<128xi32, #tpu.memory_space<vmem>>) target_semaphore(%arg9 : memref<!tpu.dma_semaphore, #tpu.memory_space<semaphore_mem>>)
    %add3A_14 = arith.constant 8192 : i32
    %add3A_15 = arith.addi %add3A_14, %mul3A_2 : i32
    %dma_start3A_16 = tpu.memref_slice %arg3[%add3A_15] : memref<12288xi32, #tpu.memory_space<hbm>> -> memref<128xi32, #tpu.memory_space<hbm>>
    %dma_start3A_17 = tpu.memref_slice %arg3[%add3A_15] : memref<12288xi32, #tpu.memory_space<hbm>> -> memref<128xi32, #tpu.memory_space<hbm>>
    tpu.enqueue_dma source(%dma_start3A_17 : memref<128xi32, #tpu.memory_space<hbm>>) target(%arg7 : memref<128xi32, #tpu.memory_space<vmem>>) target_semaphore(%arg9 : memref<!tpu.dma_semaphore, #tpu.memory_space<semaphore_mem>>)
    %dma_wait3A = arith.constant 0 : i32
    %dma_wait3A_18 = tpu.memref_slice %arg2[%mul3A_2, %dma_wait3A] : memref<4096x512xf32, #tpu.memory_space<hbm>> -> memref<128x512xf32, #tpu.memory_space<hbm>>
    %dma_wait3A_19 = arith.constant 0 : i32
    %dma_wait3A_20 = tpu.memref_slice %arg2[%mul3A_2, %dma_wait3A_19] : memref<4096x512xf32, #tpu.memory_space<hbm>> -> memref<128x512xf32, #tpu.memory_space<hbm>>
    tpu.wait_dma2 semaphore(%arg9 : memref<!tpu.dma_semaphore, #tpu.memory_space<semaphore_mem>>) src(%dma_wait3A_20 : memref<128x512xf32, #tpu.memory_space<hbm>>) dst(%arg8 : memref<128x512xf32, #tpu.memory_space<vmem>>)
    %dma_wait3A_21 = tpu.memref_slice %arg3[%add3A_7] : memref<12288xi32, #tpu.memory_space<hbm>> -> memref<128xi32, #tpu.memory_space<hbm>>
    %dma_wait3A_22 = tpu.memref_slice %arg3[%add3A_7] : memref<12288xi32, #tpu.memory_space<hbm>> -> memref<128xi32, #tpu.memory_space<hbm>>
    tpu.wait_dma2 semaphore(%arg9 : memref<!tpu.dma_semaphore, #tpu.memory_space<semaphore_mem>>) src(%dma_wait3A_22 : memref<128xi32, #tpu.memory_space<hbm>>) dst(%arg5 : memref<128xi32, #tpu.memory_space<vmem>>)
    %dma_wait3A_23 = tpu.memref_slice %arg3[%add3A_11] : memref<12288xi32, #tpu.memory_space<hbm>> -> memref<128xi32, #tpu.memory_space<hbm>>
    %dma_wait3A_24 = tpu.memref_slice %arg3[%add3A_11] : memref<12288xi32, #tpu.memory_space<hbm>> -> memref<128xi32, #tpu.memory_space<hbm>>
    tpu.wait_dma2 semaphore(%arg9 : memref<!tpu.dma_semaphore, #tpu.memory_space<semaphore_mem>>) src(%dma_wait3A_24 : memref<128xi32, #tpu.memory_space<hbm>>) dst(%arg6 : memref<128xi32, #tpu.memory_space<vmem>>)
    %dma_wait3A_25 = tpu.memref_slice %arg3[%add3A_15] : memref<12288xi32, #tpu.memory_space<hbm>> -> memref<128xi32, #tpu.memory_space<hbm>>
    %dma_wait3A_26 = tpu.memref_slice %arg3[%add3A_15] : memref<12288xi32, #tpu.memory_space<hbm>> -> memref<128xi32, #tpu.memory_space<hbm>>
    tpu.wait_dma2 semaphore(%arg9 : memref<!tpu.dma_semaphore, #tpu.memory_space<semaphore_mem>>) src(%dma_wait3A_26 : memref<128xi32, #tpu.memory_space<hbm>>) dst(%arg7 : memref<128xi32, #tpu.memory_space<vmem>>)
    %dma_start3A_27 = arith.constant 0 : i32
    %dma_start3A_28 = arith.constant 0 : i32
    %dma_start3A_29 = tpu.memref_slice %arg4[%dma_start3A_27, %dma_start3A_28] : memref<16384x512xf32, #tpu.memory_space<hbm>> -> memref<16384x512xf32, #tpu.memory_space<hbm>>
    tpu.enqueue_indirect_dma source(%arg8 : memref<128x512xf32, #tpu.memory_space<vmem>>) target(%dma_start3A_29 : memref<16384x512xf32, #tpu.memory_space<hbm>>) offsets(%arg5 : memref<128xi32, #tpu.memory_space<vmem>>) semaphore(%arg10 : memref<!tpu.dma_semaphore, #tpu.memory_space<semaphore_mem>>)
    %dma_start3A_30 = arith.constant 0 : i32
    %dma_start3A_31 = arith.constant 0 : i32
    %dma_start3A_32 = tpu.memref_slice %arg4[%dma_start3A_30, %dma_start3A_31] : memref<16384x512xf32, #tpu.memory_space<hbm>> -> memref<16384x512xf32, #tpu.memory_space<hbm>>
    tpu.enqueue_indirect_dma source(%arg8 : memref<128x512xf32, #tpu.memory_space<vmem>>) target(%dma_start3A_32 : memref<16384x512xf32, #tpu.memory_space<hbm>>) offsets(%arg6 : memref<128xi32, #tpu.memory_space<vmem>>) semaphore(%arg10 : memref<!tpu.dma_semaphore, #tpu.memory_space<semaphore_mem>>)
    %dma_start3A_33 = arith.constant 0 : i32
    %dma_start3A_34 = arith.constant 0 : i32
    %dma_start3A_35 = tpu.memref_slice %arg4[%dma_start3A_33, %dma_start3A_34] : memref<16384x512xf32, #tpu.memory_space<hbm>> -> memref<16384x512xf32, #tpu.memory_space<hbm>>
    tpu.enqueue_indirect_dma source(%arg8 : memref<128x512xf32, #tpu.memory_space<vmem>>) target(%dma_start3A_35 : memref<16384x512xf32, #tpu.memory_space<hbm>>) offsets(%arg7 : memref<128xi32, #tpu.memory_space<vmem>>) semaphore(%arg10 : memref<!tpu.dma_semaphore, #tpu.memory_space<semaphore_mem>>)
    %dma_wait3A_36 = arith.constant 0 : i32
    %dma_wait3A_37 = arith.constant 0 : i32
    %dma_wait3A_38 = tpu.memref_slice %arg4[%dma_wait3A_36, %dma_wait3A_37] : memref<16384x512xf32, #tpu.memory_space<hbm>> -> memref<16384x512xf32, #tpu.memory_space<hbm>>
    tpu.wait_indirect_dma semaphore(%arg10 : memref<!tpu.dma_semaphore, #tpu.memory_space<semaphore_mem>>) src(%arg8 : memref<128x512xf32, #tpu.memory_space<vmem>>) dst(%dma_wait3A_38 : memref<16384x512xf32, #tpu.memory_space<hbm>>)
    %dma_wait3A_39 = arith.constant 0 : i32
    %dma_wait3A_40 = arith.constant 0 : i32
    %dma_wait3A_41 = tpu.memref_slice %arg4[%dma_wait3A_39, %dma_wait3A_40] : memref<16384x512xf32, #tpu.memory_space<hbm>> -> memref<16384x512xf32, #tpu.memory_space<hbm>>
    tpu.wait_indirect_dma semaphore(%arg10 : memref<!tpu.dma_semaphore, #tpu.memory_space<semaphore_mem>>) src(%arg8 : memref<128x512xf32, #tpu.memory_space<vmem>>) dst(%dma_wait3A_41 : memref<16384x512xf32, #tpu.memory_space<hbm>>)
    %dma_wait3A_42 = arith.constant 0 : i32
    %dma_wait3A_43 = arith.constant 0 : i32
    %dma_wait3A_44 = tpu.memref_slice %arg4[%dma_wait3A_42, %dma_wait3A_43] : memref<16384x512xf32, #tpu.memory_space<hbm>> -> memref<16384x512xf32, #tpu.memory_space<hbm>>
    tpu.wait_indirect_dma semaphore(%arg10 : memref<!tpu.dma_semaphore, #tpu.memory_space<semaphore_mem>>) src(%arg8 : memref<128x512xf32, #tpu.memory_space<vmem>>) dst(%dma_wait3A_44 : memref<16384x512xf32, #tpu.memory_space<hbm>>)
    return
  }
}

module attributes {stable_mosaic.version = 14 : i64} {
  func.func @_bottom_body(%arg0: i32, %arg1: memref<1024x1536xf32, #tpu.memory_space<vmem>>, %arg2: memref<1536x768xf32, #tpu.memory_space<vmem>>, %arg3: memref<1x768xf32, #tpu.memory_space<vmem>>, %arg4: memref<768x768xf32, #tpu.memory_space<vmem>>, %arg5: memref<1x768xf32, #tpu.memory_space<vmem>>, %arg6: memref<768x192xf32, #tpu.memory_space<vmem>>, %arg7: memref<1024x512xf32, #tpu.memory_space<vmem>>, %arg8: memref<1024x128xi32, #tpu.memory_space<vmem>>, %arg9: memref<8x128xf32, #tpu.memory_space<vmem>>, %arg10: memref<8x64xf32, #tpu.memory_space<vmem>>, %arg11: memref<8x192xf32, #tpu.memory_space<vmem>>) attributes {dimension_semantics = [#tpu.dimension_semantics<arbitrary>], iteration_bounds = array<i64: 4>, scalar_prefetch = 0 : i64, scratch_operands = 2 : i64, tpu.core_type = #tpu.core_type<tc>, window_params = [{transform_indices = @transform_0, window_bounds = array<i64: 1024, 1536>}, {pipeline_mode = #tpu.pipeline_mode<synchronous>, transform_indices = @transform_1, window_bounds = array<i64: 1536, 768>}, {pipeline_mode = #tpu.pipeline_mode<synchronous>, transform_indices = @transform_2, window_bounds = array<i64: 1, 768>}, {pipeline_mode = #tpu.pipeline_mode<synchronous>, transform_indices = @transform_3, window_bounds = array<i64: 768, 768>}, {pipeline_mode = #tpu.pipeline_mode<synchronous>, transform_indices = @transform_4, window_bounds = array<i64: 1, 768>}, {pipeline_mode = #tpu.pipeline_mode<synchronous>, transform_indices = @transform_5, window_bounds = array<i64: 768, 192>}, {transform_indices = @transform_6, window_bounds = array<i64: 1024, 512>}, {transform_indices = @transform_7, window_bounds = array<i64: 1024, 128>}, {pipeline_mode = #tpu.pipeline_mode<synchronous>, transform_indices = @transform_8, window_bounds = array<i64: 8, 128>}]} {
    %eq3A = arith.constant 0 : i32
    %eq3A_0 = arith.cmpi eq, %arg0, %eq3A : i32
    %convert_element_type3A = arith.extui %eq3A_0 : i1 to i32
    %cond3A = arith.constant 0 : i32
    %cond3A_1 = arith.cmpi ne, %convert_element_type3A, %cond3A : i32
    scf.if %cond3A_1 {
      %broadcast_in_dim3A_401 = arith.constant 0.000000e+00 : f32
      %broadcast_in_dim3A_402 = vector.broadcast %broadcast_in_dim3A_401 : f32 to vector<8x64xf32>
      %swap3A_403 = arith.constant 0 : index
      %swap3A_404 = arith.constant 0 : index
      %swap3A_405 = vector.load %arg10[%swap3A_403, %swap3A_404] : memref<8x64xf32, #tpu.memory_space<vmem>>, vector<8x64xf32>
      tpu.vector_store %arg10[%swap3A_403, %swap3A_404], %broadcast_in_dim3A_402 {strides = array<i32>} : memref<8x64xf32, #tpu.memory_space<vmem>>, vector<8x64xf32>,
      %broadcast_in_dim3A_406 = arith.constant 0.000000e+00 : f32
      %broadcast_in_dim3A_407 = vector.broadcast %broadcast_in_dim3A_406 : f32 to vector<8x192xf32>
      %swap3A_408 = arith.constant 0 : index
      %swap3A_409 = arith.constant 0 : index
      %swap3A_410 = vector.load %arg11[%swap3A_408, %swap3A_409] : memref<8x192xf32, #tpu.memory_space<vmem>>, vector<8x192xf32>
      tpu.vector_store %arg11[%swap3A_408, %swap3A_409], %broadcast_in_dim3A_407 {strides = array<i32>} : memref<8x192xf32, #tpu.memory_space<vmem>>, vector<8x192xf32>,
    } else {
    }
    %get3A = arith.constant 0 : index
    %get3A_2 = arith.constant 0 : index
    %get3A_3 = vector.load %arg1[%get3A, %get3A_2] : memref<1024x1536xf32, #tpu.memory_space<vmem>>, vector<1024x1536xf32>
    %convert_element_type3A_4 = arith.truncf %get3A_3 : vector<1024x1536xf32> to vector<1024x1536xbf16>
    %get3A_5 = arith.constant 0 : index
    %get3A_6 = arith.constant 0 : index
    %get3A_7 = vector.load %arg2[%get3A_5, %get3A_6] : memref<1536x768xf32, #tpu.memory_space<vmem>>, vector<1536x768xf32>
    %convert_element_type3A_8 = arith.truncf %get3A_7 : vector<1536x768xf32> to vector<1536x768xbf16>
    %dot_general3A = arith.constant dense<0.000000e+00> : vector<1024x768xf32>
    %dot_general3A_9 = tpu.matmul %convert_element_type3A_4, %convert_element_type3A_8, %dot_general3A {dimension_numbers = #tpu.dot_dimension_numbers<[1], [0], [0], [1], [0, 0, 1, 1], [], []>, transpose_lhs_hint = false} : vector<1024x1536xbf16>, vector<1536x768xbf16>, vector<1024x768xf32> -> vector<1024x768xf32>
    %get3A_10 = arith.constant 0 : index
    %get3A_11 = arith.constant 0 : index
    %get3A_12 = vector.load %arg3[%get3A_10, %get3A_11] : memref<1x768xf32, #tpu.memory_space<vmem>>, vector<1x768xf32>
    %add3A = vector.broadcast %get3A_12 : vector<1x768xf32> to vector<1024x768xf32>
    %add3A_13 = arith.addf %dot_general3A_9, %add3A : vector<1024x768xf32>
    %max3A = arith.constant 0.000000e+00 : f32
    %max3A_14 = vector.broadcast %max3A : f32 to vector<1024x768xf32>
    %max3A_15 = arith.maximumf %add3A_13, %max3A_14 : vector<1024x768xf32>
    %convert_element_type3A_16 = arith.truncf %max3A_15 : vector<1024x768xf32> to vector<1024x768xbf16>
    %get3A_17 = arith.constant 0 : index
    %get3A_18 = arith.constant 0 : index
    %get3A_19 = vector.load %arg4[%get3A_17, %get3A_18] : memref<768x768xf32, #tpu.memory_space<vmem>>, vector<768x768xf32>
    %convert_element_type3A_20 = arith.truncf %get3A_19 : vector<768x768xf32> to vector<768x768xbf16>
    %dot_general3A_21 = arith.constant dense<0.000000e+00> : vector<1024x768xf32>
    %dot_general3A_22 = tpu.matmul %convert_element_type3A_16, %convert_element_type3A_20, %dot_general3A_21 {dimension_numbers = #tpu.dot_dimension_numbers<[1], [0], [0], [1], [0, 0, 1, 1], [], []>, transpose_lhs_hint = false} : vector<1024x768xbf16>, vector<768x768xbf16>, vector<1024x768xf32> -> vector<1024x768xf32>
    %get3A_23 = arith.constant 0 : index
    %get3A_24 = arith.constant 0 : index
    %get3A_25 = vector.load %arg5[%get3A_23, %get3A_24] : memref<1x768xf32, #tpu.memory_space<vmem>>, vector<1x768xf32>
    %add3A_26 = vector.broadcast %get3A_25 : vector<1x768xf32> to vector<1024x768xf32>
    %add3A_27 = arith.addf %dot_general3A_22, %add3A_26 : vector<1024x768xf32>
    %convert_element_type3A_28 = arith.truncf %add3A_27 : vector<1024x768xf32> to vector<1024x768xbf16>
    %get3A_29 = arith.constant 0 : index
    %get3A_30 = arith.constant 0 : index
    %get3A_31 = vector.load %arg6[%get3A_29, %get3A_30] : memref<768x192xf32, #tpu.memory_space<vmem>>, vector<768x192xf32>
    %convert_element_type3A_32 = arith.truncf %get3A_31 : vector<768x192xf32> to vector<768x192xbf16>
    %dot_general3A_33 = arith.constant dense<0.000000e+00> : vector<1024x192xf32>
    %dot_general3A_34 = tpu.matmul %convert_element_type3A_28, %convert_element_type3A_32, %dot_general3A_33 {dimension_numbers = #tpu.dot_dimension_numbers<[1], [0], [0], [1], [0, 0, 1, 1], [], []>, transpose_lhs_hint = false} : vector<1024x768xbf16>, vector<768x192xbf16>, vector<1024x192xf32> -> vector<1024x192xf32>
    %iota3A = tpu.iota {dimensions = array<i32: 1>} : vector<1x64xi32>
    %iota3A_35 = tpu.iota {dimensions = array<i32: 0>} : vector<1024x1024xi32>
    %iota3A_36 = tpu.iota {dimensions = array<i32: 1>} : vector<1024x1024xi32>
    %gt3A = arith.cmpi sgt, %iota3A_35, %iota3A_36 : vector<1024x1024xi32>
    %convert_element_type3A_37 = arith.extui %gt3A : vector<1024x1024xi1> to vector<1024x1024xi32>
    %convert_element_type3A_38 = arith.sitofp %convert_element_type3A_37 : vector<1024x1024xi32> to vector<1024x1024xf32>
    %slice3A = vector.extract_strided_slice %dot_general3A_34 {offsets = [0, 0], sizes = [1024, 64], strides = [1, 1]} : vector<1024x192xf32> to vector<1024x64xf32>
    %reduce_max3A = arith.constant dense<0xFF800000> : vector<1024xf32>
    %reduce_max3A_39 = vector.multi_reduction <maximumf>, %slice3A, %reduce_max3A [1] : vector<1024x64xf32> to vector<1024xf32>
    %broadcast_in_dim3A = vector.shape_cast %reduce_max3A_39 : vector<1024xf32> to vector<1024x1xf32>
    %sub3A = vector.broadcast %broadcast_in_dim3A : vector<1024x1xf32> to vector<1024x64xf32>
    %sub3A_40 = arith.subf %slice3A, %sub3A : vector<1024x64xf32>
    %exp3A = math.exp %sub3A_40 : vector<1024x64xf32>
    %reduce_sum3A = arith.constant dense<0.000000e+00> : vector<1024xf32>
    %reduce_sum3A_41 = vector.multi_reduction <add>, %exp3A, %reduce_sum3A [1] : vector<1024x64xf32> to vector<1024xf32>
    %broadcast_in_dim3A_42 = vector.shape_cast %reduce_sum3A_41 : vector<1024xf32> to vector<1024x1xf32>
    %div3A = arith.constant 1.000000e+00 : f32
    %div3A_43 = vector.broadcast %div3A : f32 to vector<1024x1xf32>
    %div3A_44 = arith.divf %div3A_43, %broadcast_in_dim3A_42 : vector<1024x1xf32>
    %div3A_45 = vector.broadcast %broadcast_in_dim3A_42 : vector<1024x1xf32> to vector<1024x64xf32>
    %div3A_46 = arith.divf %exp3A, %div3A_45 : vector<1024x64xf32>
    %reduce_sum3A_47 = arith.constant dense<0.000000e+00> : vector<64xf32>
    %reduce_sum3A_48 = vector.multi_reduction <add>, %div3A_46, %reduce_sum3A_47 [0] : vector<1024x64xf32> to vector<64xf32>
    %broadcast_in_dim3A_49 = vector.shape_cast %reduce_sum3A_48 : vector<64xf32> to vector<1x64xf32>
    %eq3A_50 = vector.broadcast %broadcast_in_dim3A : vector<1024x1xf32> to vector<1024x64xf32>
    %eq3A_51 = arith.cmpf oeq, %slice3A, %eq3A_50 : vector<1024x64xf32>
    %jit3A = arith.constant 64 : i32
    %broadcast_in_dim3A_52 = vector.shape_cast %iota3A : vector<1x64xi32> to vector<1x64xi32>
    %broadcast_in_dim3A_53 = vector.broadcast %broadcast_in_dim3A_52 : vector<1x64xi32> to vector<1024x64xi32>
    %broadcast_in_dim3A_54 = vector.broadcast %jit3A : i32 to vector<1024x64xi32>
    %select_n3A = arith.select %eq3A_51, %broadcast_in_dim3A_53, %broadcast_in_dim3A_54 : vector<1024x64xi1>, vector<1024x64xi32>
    %reduce_min3A = arith.constant dense<2147483647> : vector<1024xi32>
    %reduce_min3A_55 = vector.multi_reduction <minsi>, %select_n3A, %reduce_min3A [1] : vector<1024x64xi32> to vector<1024xi32>
    %broadcast_in_dim3A_56 = vector.shape_cast %reduce_min3A_55 : vector<1024xi32> to vector<1024x1xi32>
    %eq3A_57 = vector.broadcast %broadcast_in_dim3A_56 : vector<1024x1xi32> to vector<1024x64xi32>
    %eq3A_58 = vector.broadcast %iota3A : vector<1x64xi32> to vector<1024x64xi32>
    %eq3A_59 = arith.cmpi eq, %eq3A_57, %eq3A_58 : vector<1024x64xi32>
    %convert_element_type3A_60 = arith.extui %eq3A_59 : vector<1024x64xi1> to vector<1024x64xi32>
    %convert_element_type3A_61 = arith.sitofp %convert_element_type3A_60 : vector<1024x64xi32> to vector<1024x64xf32>
    %convert_element_type3A_62 = arith.truncf %convert_element_type3A_38 : vector<1024x1024xf32> to vector<1024x1024xbf16>
    %convert_element_type3A_63 = arith.truncf %convert_element_type3A_61 : vector<1024x64xf32> to vector<1024x64xbf16>
    %dot_general3A_64 = arith.constant dense<0.000000e+00> : vector<1024x64xf32>
    %dot_general3A_65 = tpu.matmul %convert_element_type3A_62, %convert_element_type3A_63, %dot_general3A_64 {dimension_numbers = #tpu.dot_dimension_numbers<[1], [0], [0], [1], [0, 0, 1, 1], [], []>, transpose_lhs_hint = false} : vector<1024x1024xbf16>, vector<1024x64xbf16>, vector<1024x64xf32> -> vector<1024x64xf32>
    %get3A_66 = arith.constant 0 : index
    %get3A_67 = arith.constant 0 : index
    %get3A_68 = vector.load %arg10[%get3A_66, %get3A_67] : memref<8x64xf32, #tpu.memory_space<vmem>>, vector<1x64xf32>
    %add3A_69 = vector.broadcast %get3A_68 : vector<1x64xf32> to vector<1024x64xf32>
    %add3A_70 = arith.addf %dot_general3A_65, %add3A_69 : vector<1024x64xf32>
    %mul3A = arith.mulf %convert_element_type3A_61, %add3A_70 : vector<1024x64xf32>
    %reduce_sum3A_71 = arith.constant dense<0.000000e+00> : vector<1024xf32>
    %reduce_sum3A_72 = vector.multi_reduction <add>, %mul3A, %reduce_sum3A_71 [1] : vector<1024x64xf32> to vector<1024xf32>
    %broadcast_in_dim3A_73 = vector.shape_cast %reduce_sum3A_72 : vector<1024xf32> to vector<1024x1xf32>
    %reduce_sum3A_74 = arith.constant dense<0.000000e+00> : vector<64xf32>
    %reduce_sum3A_75 = vector.multi_reduction <add>, %convert_element_type3A_61, %reduce_sum3A_74 [0] : vector<1024x64xf32> to vector<64xf32>
    %broadcast_in_dim3A_76 = vector.shape_cast %reduce_sum3A_75 : vector<64xf32> to vector<1x64xf32>
    %add3A_77 = arith.addf %get3A_68, %broadcast_in_dim3A_76 : vector<1x64xf32>
    %swap3A = arith.constant 0 : index
    %swap3A_78 = arith.constant 0 : index
    %swap3A_79 = vector.load %arg10[%swap3A, %swap3A_78] : memref<8x64xf32, #tpu.memory_space<vmem>>, vector<1x64xf32>
    tpu.vector_store %arg10[%swap3A, %swap3A_78], %add3A_77 {strides = array<i32>} : memref<8x64xf32, #tpu.memory_space<vmem>>, vector<1x64xf32>,
    %lt3A = arith.constant 8.000000e+01 : f32
    %lt3A_80 = vector.broadcast %lt3A : f32 to vector<1024x1xf32>
    %lt3A_81 = arith.cmpf olt, %broadcast_in_dim3A_73, %lt3A_80 : vector<1024x1xf32>
    %min3A = arith.constant 7.900000e+01 : f32
    %min3A_82 = vector.broadcast %min3A : f32 to vector<1024x1xf32>
    %min3A_83 = arith.minimumf %broadcast_in_dim3A_73, %min3A_82 : vector<1024x1xf32>
    %convert_element_type3A_84 = arith.fptosi %min3A_83 : vector<1024x1xf32> to vector<1024x1xi32>
    %mul3A_85 = arith.constant 256 : i32
    %mul3A_86 = vector.broadcast %mul3A_85 : i32 to vector<1024x1xi32>
    %mul3A_87 = arith.muli %broadcast_in_dim3A_56, %mul3A_86 : vector<1024x1xi32>
    %add3A_88 = arith.constant 0 : i32
    %add3A_89 = vector.broadcast %add3A_88 : i32 to vector<1024x1xi32>
    %add3A_90 = arith.addi %mul3A_87, %add3A_89 : vector<1024x1xi32>
    %add3A_91 = arith.addi %add3A_90, %convert_element_type3A_84 : vector<1024x1xi32>
    %mul3A_92 = arith.constant 256 : i32
    %mul3A_93 = vector.broadcast %mul3A_92 : i32 to vector<1024x1xi32>
    %mul3A_94 = arith.muli %broadcast_in_dim3A_56, %mul3A_93 : vector<1024x1xi32>
    %add3A_95 = arith.constant 240 : i32
    %add3A_96 = vector.broadcast %add3A_95 : i32 to vector<1024x1xi32>
    %add3A_97 = arith.addi %mul3A_94, %add3A_96 : vector<1024x1xi32>
    %add3A_98 = arith.constant 0 : i32
    %add3A_99 = vector.broadcast %add3A_98 : i32 to vector<1024x1xi32>
    %add3A_100 = arith.addi %add3A_97, %add3A_99 : vector<1024x1xi32>
    %select_n3A_101 = arith.select %lt3A_81, %add3A_91, %add3A_100 : vector<1024x1xi1>, vector<1024x1xi32>
    %jit3A_102 = arith.constant 0.000000e+00 : f32
    %broadcast_in_dim3A_103 = vector.broadcast %jit3A_102 : f32 to vector<1024x1xf32>
    %select_n3A_104 = arith.select %lt3A_81, %div3A_44, %broadcast_in_dim3A_103 : vector<1024x1xi1>, vector<1024x1xf32>
    %slice3A_105 = vector.extract_strided_slice %dot_general3A_34 {offsets = [0, 64], sizes = [1024, 64], strides = [1, 1]} : vector<1024x192xf32> to vector<1024x64xf32>
    %reduce_max3A_106 = arith.constant dense<0xFF800000> : vector<1024xf32>
    %reduce_max3A_107 = vector.multi_reduction <maximumf>, %slice3A_105, %reduce_max3A_106 [1] : vector<1024x64xf32> to vector<1024xf32>
    %broadcast_in_dim3A_108 = vector.shape_cast %reduce_max3A_107 : vector<1024xf32> to vector<1024x1xf32>
    %sub3A_109 = vector.broadcast %broadcast_in_dim3A_108 : vector<1024x1xf32> to vector<1024x64xf32>
    %sub3A_110 = arith.subf %slice3A_105, %sub3A_109 : vector<1024x64xf32>
    %exp3A_111 = math.exp %sub3A_110 : vector<1024x64xf32>
    %reduce_sum3A_112 = arith.constant dense<0.000000e+00> : vector<1024xf32>
    %reduce_sum3A_113 = vector.multi_reduction <add>, %exp3A_111, %reduce_sum3A_112 [1] : vector<1024x64xf32> to vector<1024xf32>
    %broadcast_in_dim3A_114 = vector.shape_cast %reduce_sum3A_113 : vector<1024xf32> to vector<1024x1xf32>
    %div3A_115 = arith.constant 1.000000e+00 : f32
    %div3A_116 = vector.broadcast %div3A_115 : f32 to vector<1024x1xf32>
    %div3A_117 = arith.divf %div3A_116, %broadcast_in_dim3A_114 : vector<1024x1xf32>
    %div3A_118 = vector.broadcast %broadcast_in_dim3A_114 : vector<1024x1xf32> to vector<1024x64xf32>
    %div3A_119 = arith.divf %exp3A_111, %div3A_118 : vector<1024x64xf32>
    %reduce_sum3A_120 = arith.constant dense<0.000000e+00> : vector<64xf32>
    %reduce_sum3A_121 = vector.multi_reduction <add>, %div3A_119, %reduce_sum3A_120 [0] : vector<1024x64xf32> to vector<64xf32>
    %broadcast_in_dim3A_122 = vector.shape_cast %reduce_sum3A_121 : vector<64xf32> to vector<1x64xf32>
    %eq3A_123 = vector.broadcast %broadcast_in_dim3A_108 : vector<1024x1xf32> to vector<1024x64xf32>
    %eq3A_124 = arith.cmpf oeq, %slice3A_105, %eq3A_123 : vector<1024x64xf32>
    %jit3A_125 = arith.constant 64 : i32
    %broadcast_in_dim3A_126 = vector.shape_cast %iota3A : vector<1x64xi32> to vector<1x64xi32>
    %broadcast_in_dim3A_127 = vector.broadcast %broadcast_in_dim3A_126 : vector<1x64xi32> to vector<1024x64xi32>
    %broadcast_in_dim3A_128 = vector.broadcast %jit3A_125 : i32 to vector<1024x64xi32>
    %select_n3A_129 = arith.select %eq3A_124, %broadcast_in_dim3A_127, %broadcast_in_dim3A_128 : vector<1024x64xi1>, vector<1024x64xi32>
    %reduce_min3A_130 = arith.constant dense<2147483647> : vector<1024xi32>
    %reduce_min3A_131 = vector.multi_reduction <minsi>, %select_n3A_129, %reduce_min3A_130 [1] : vector<1024x64xi32> to vector<1024xi32>
    %broadcast_in_dim3A_132 = vector.shape_cast %reduce_min3A_131 : vector<1024xi32> to vector<1024x1xi32>
    %eq3A_133 = vector.broadcast %broadcast_in_dim3A_132 : vector<1024x1xi32> to vector<1024x64xi32>
    %eq3A_134 = vector.broadcast %iota3A : vector<1x64xi32> to vector<1024x64xi32>
    %eq3A_135 = arith.cmpi eq, %eq3A_133, %eq3A_134 : vector<1024x64xi32>
    %convert_element_type3A_136 = arith.extui %eq3A_135 : vector<1024x64xi1> to vector<1024x64xi32>
    %convert_element_type3A_137 = arith.sitofp %convert_element_type3A_136 : vector<1024x64xi32> to vector<1024x64xf32>
    %convert_element_type3A_138 = arith.truncf %convert_element_type3A_38 : vector<1024x1024xf32> to vector<1024x1024xbf16>
    %convert_element_type3A_139 = arith.truncf %convert_element_type3A_137 : vector<1024x64xf32> to vector<1024x64xbf16>
    %dot_general3A_140 = arith.constant dense<0.000000e+00> : vector<1024x64xf32>
    %dot_general3A_141 = tpu.matmul %convert_element_type3A_138, %convert_element_type3A_139, %dot_general3A_140 {dimension_numbers = #tpu.dot_dimension_numbers<[1], [0], [0], [1], [0, 0, 1, 1], [], []>, transpose_lhs_hint = false} : vector<1024x1024xbf16>, vector<1024x64xbf16>, vector<1024x64xf32> -> vector<1024x64xf32>
    %get3A_142 = arith.constant 1 : index
    %get3A_143 = arith.constant 0 : index
    %get3A_144 = vector.load %arg10[%get3A_142, %get3A_143] : memref<8x64xf32, #tpu.memory_space<vmem>>, vector<1x64xf32>
    %add3A_145 = vector.broadcast %get3A_144 : vector<1x64xf32> to vector<1024x64xf32>
    %add3A_146 = arith.addf %dot_general3A_141, %add3A_145 : vector<1024x64xf32>
    %mul3A_147 = arith.mulf %convert_element_type3A_137, %add3A_146 : vector<1024x64xf32>
    %reduce_sum3A_148 = arith.constant dense<0.000000e+00> : vector<1024xf32>
    %reduce_sum3A_149 = vector.multi_reduction <add>, %mul3A_147, %reduce_sum3A_148 [1] : vector<1024x64xf32> to vector<1024xf32>
    %broadcast_in_dim3A_150 = vector.shape_cast %reduce_sum3A_149 : vector<1024xf32> to vector<1024x1xf32>
    %reduce_sum3A_151 = arith.constant dense<0.000000e+00> : vector<64xf32>
    %reduce_sum3A_152 = vector.multi_reduction <add>, %convert_element_type3A_137, %reduce_sum3A_151 [0] : vector<1024x64xf32> to vector<64xf32>
    %broadcast_in_dim3A_153 = vector.shape_cast %reduce_sum3A_152 : vector<64xf32> to vector<1x64xf32>
    %add3A_154 = arith.addf %get3A_144, %broadcast_in_dim3A_153 : vector<1x64xf32>
    %swap3A_155 = arith.constant 1 : index
    %swap3A_156 = arith.constant 0 : index
    %swap3A_157 = vector.load %arg10[%swap3A_155, %swap3A_156] : memref<8x64xf32, #tpu.memory_space<vmem>>, vector<1x64xf32>
    tpu.vector_store %arg10[%swap3A_155, %swap3A_156], %add3A_154 {strides = array<i32>} : memref<8x64xf32, #tpu.memory_space<vmem>>, vector<1x64xf32>,
    %lt3A_158 = arith.constant 8.000000e+01 : f32
    %lt3A_159 = vector.broadcast %lt3A_158 : f32 to vector<1024x1xf32>
    %lt3A_160 = arith.cmpf olt, %broadcast_in_dim3A_150, %lt3A_159 : vector<1024x1xf32>
    %min3A_161 = arith.constant 7.900000e+01 : f32
    %min3A_162 = vector.broadcast %min3A_161 : f32 to vector<1024x1xf32>
    %min3A_163 = arith.minimumf %broadcast_in_dim3A_150, %min3A_162 : vector<1024x1xf32>
    %convert_element_type3A_164 = arith.fptosi %min3A_163 : vector<1024x1xf32> to vector<1024x1xi32>
    %mul3A_165 = arith.constant 256 : i32
    %mul3A_166 = vector.broadcast %mul3A_165 : i32 to vector<1024x1xi32>
    %mul3A_167 = arith.muli %broadcast_in_dim3A_132, %mul3A_166 : vector<1024x1xi32>
    %add3A_168 = arith.constant 80 : i32
    %add3A_169 = vector.broadcast %add3A_168 : i32 to vector<1024x1xi32>
    %add3A_170 = arith.addi %mul3A_167, %add3A_169 : vector<1024x1xi32>
    %add3A_171 = arith.addi %add3A_170, %convert_element_type3A_164 : vector<1024x1xi32>
    %mul3A_172 = arith.constant 256 : i32
    %mul3A_173 = vector.broadcast %mul3A_172 : i32 to vector<1024x1xi32>
    %mul3A_174 = arith.muli %broadcast_in_dim3A_132, %mul3A_173 : vector<1024x1xi32>
    %add3A_175 = arith.constant 240 : i32
    %add3A_176 = vector.broadcast %add3A_175 : i32 to vector<1024x1xi32>
    %add3A_177 = arith.addi %mul3A_174, %add3A_176 : vector<1024x1xi32>
    %add3A_178 = arith.constant 1 : i32
    %add3A_179 = vector.broadcast %add3A_178 : i32 to vector<1024x1xi32>
    %add3A_180 = arith.addi %add3A_177, %add3A_179 : vector<1024x1xi32>
    %select_n3A_181 = arith.select %lt3A_160, %add3A_171, %add3A_180 : vector<1024x1xi1>, vector<1024x1xi32>
    %jit3A_182 = arith.constant 0.000000e+00 : f32
    %broadcast_in_dim3A_183 = vector.broadcast %jit3A_182 : f32 to vector<1024x1xf32>
    %select_n3A_184 = arith.select %lt3A_160, %div3A_117, %broadcast_in_dim3A_183 : vector<1024x1xi1>, vector<1024x1xf32>
    %slice3A_185 = vector.extract_strided_slice %dot_general3A_34 {offsets = [0, 128], sizes = [1024, 64], strides = [1, 1]} : vector<1024x192xf32> to vector<1024x64xf32>
    %reduce_max3A_186 = arith.constant dense<0xFF800000> : vector<1024xf32>
    %reduce_max3A_187 = vector.multi_reduction <maximumf>, %slice3A_185, %reduce_max3A_186 [1] : vector<1024x64xf32> to vector<1024xf32>
    %broadcast_in_dim3A_188 = vector.shape_cast %reduce_max3A_187 : vector<1024xf32> to vector<1024x1xf32>
    %sub3A_189 = vector.broadcast %broadcast_in_dim3A_188 : vector<1024x1xf32> to vector<1024x64xf32>
    %sub3A_190 = arith.subf %slice3A_185, %sub3A_189 : vector<1024x64xf32>
    %exp3A_191 = math.exp %sub3A_190 : vector<1024x64xf32>
    %reduce_sum3A_192 = arith.constant dense<0.000000e+00> : vector<1024xf32>
    %reduce_sum3A_193 = vector.multi_reduction <add>, %exp3A_191, %reduce_sum3A_192 [1] : vector<1024x64xf32> to vector<1024xf32>
    %broadcast_in_dim3A_194 = vector.shape_cast %reduce_sum3A_193 : vector<1024xf32> to vector<1024x1xf32>
    %div3A_195 = arith.constant 1.000000e+00 : f32
    %div3A_196 = vector.broadcast %div3A_195 : f32 to vector<1024x1xf32>
    %div3A_197 = arith.divf %div3A_196, %broadcast_in_dim3A_194 : vector<1024x1xf32>
    %div3A_198 = vector.broadcast %broadcast_in_dim3A_194 : vector<1024x1xf32> to vector<1024x64xf32>
    %div3A_199 = arith.divf %exp3A_191, %div3A_198 : vector<1024x64xf32>
    %reduce_sum3A_200 = arith.constant dense<0.000000e+00> : vector<64xf32>
    %reduce_sum3A_201 = vector.multi_reduction <add>, %div3A_199, %reduce_sum3A_200 [0] : vector<1024x64xf32> to vector<64xf32>
    %broadcast_in_dim3A_202 = vector.shape_cast %reduce_sum3A_201 : vector<64xf32> to vector<1x64xf32>
    %eq3A_203 = vector.broadcast %broadcast_in_dim3A_188 : vector<1024x1xf32> to vector<1024x64xf32>
    %eq3A_204 = arith.cmpf oeq, %slice3A_185, %eq3A_203 : vector<1024x64xf32>
    %jit3A_205 = arith.constant 64 : i32
    %broadcast_in_dim3A_206 = vector.shape_cast %iota3A : vector<1x64xi32> to vector<1x64xi32>
    %broadcast_in_dim3A_207 = vector.broadcast %broadcast_in_dim3A_206 : vector<1x64xi32> to vector<1024x64xi32>
    %broadcast_in_dim3A_208 = vector.broadcast %jit3A_205 : i32 to vector<1024x64xi32>
    %select_n3A_209 = arith.select %eq3A_204, %broadcast_in_dim3A_207, %broadcast_in_dim3A_208 : vector<1024x64xi1>, vector<1024x64xi32>
    %reduce_min3A_210 = arith.constant dense<2147483647> : vector<1024xi32>
    %reduce_min3A_211 = vector.multi_reduction <minsi>, %select_n3A_209, %reduce_min3A_210 [1] : vector<1024x64xi32> to vector<1024xi32>
    %broadcast_in_dim3A_212 = vector.shape_cast %reduce_min3A_211 : vector<1024xi32> to vector<1024x1xi32>
    %eq3A_213 = vector.broadcast %broadcast_in_dim3A_212 : vector<1024x1xi32> to vector<1024x64xi32>
    %eq3A_214 = vector.broadcast %iota3A : vector<1x64xi32> to vector<1024x64xi32>
    %eq3A_215 = arith.cmpi eq, %eq3A_213, %eq3A_214 : vector<1024x64xi32>
    %convert_element_type3A_216 = arith.extui %eq3A_215 : vector<1024x64xi1> to vector<1024x64xi32>
    %convert_element_type3A_217 = arith.sitofp %convert_element_type3A_216 : vector<1024x64xi32> to vector<1024x64xf32>
    %convert_element_type3A_218 = arith.truncf %convert_element_type3A_38 : vector<1024x1024xf32> to vector<1024x1024xbf16>
    %convert_element_type3A_219 = arith.truncf %convert_element_type3A_217 : vector<1024x64xf32> to vector<1024x64xbf16>
    %dot_general3A_220 = arith.constant dense<0.000000e+00> : vector<1024x64xf32>
    %dot_general3A_221 = tpu.matmul %convert_element_type3A_218, %convert_element_type3A_219, %dot_general3A_220 {dimension_numbers = #tpu.dot_dimension_numbers<[1], [0], [0], [1], [0, 0, 1, 1], [], []>, transpose_lhs_hint = false} : vector<1024x1024xbf16>, vector<1024x64xbf16>, vector<1024x64xf32> -> vector<1024x64xf32>
    %get3A_222 = arith.constant 2 : index
    %get3A_223 = arith.constant 0 : index
    %get3A_224 = vector.load %arg10[%get3A_222, %get3A_223] : memref<8x64xf32, #tpu.memory_space<vmem>>, vector<1x64xf32>
    %add3A_225 = vector.broadcast %get3A_224 : vector<1x64xf32> to vector<1024x64xf32>
    %add3A_226 = arith.addf %dot_general3A_221, %add3A_225 : vector<1024x64xf32>
    %mul3A_227 = arith.mulf %convert_element_type3A_217, %add3A_226 : vector<1024x64xf32>
    %reduce_sum3A_228 = arith.constant dense<0.000000e+00> : vector<1024xf32>
    %reduce_sum3A_229 = vector.multi_reduction <add>, %mul3A_227, %reduce_sum3A_228 [1] : vector<1024x64xf32> to vector<1024xf32>
    %broadcast_in_dim3A_230 = vector.shape_cast %reduce_sum3A_229 : vector<1024xf32> to vector<1024x1xf32>
    %reduce_sum3A_231 = arith.constant dense<0.000000e+00> : vector<64xf32>
    %reduce_sum3A_232 = vector.multi_reduction <add>, %convert_element_type3A_217, %reduce_sum3A_231 [0] : vector<1024x64xf32> to vector<64xf32>
    %broadcast_in_dim3A_233 = vector.shape_cast %reduce_sum3A_232 : vector<64xf32> to vector<1x64xf32>
    %add3A_234 = arith.addf %get3A_224, %broadcast_in_dim3A_233 : vector<1x64xf32>
    %swap3A_235 = arith.constant 2 : index
    %swap3A_236 = arith.constant 0 : index
    %swap3A_237 = vector.load %arg10[%swap3A_235, %swap3A_236] : memref<8x64xf32, #tpu.memory_space<vmem>>, vector<1x64xf32>
    tpu.vector_store %arg10[%swap3A_235, %swap3A_236], %add3A_234 {strides = array<i32>} : memref<8x64xf32, #tpu.memory_space<vmem>>, vector<1x64xf32>,
    %lt3A_238 = arith.constant 8.000000e+01 : f32
    %lt3A_239 = vector.broadcast %lt3A_238 : f32 to vector<1024x1xf32>
    %lt3A_240 = arith.cmpf olt, %broadcast_in_dim3A_230, %lt3A_239 : vector<1024x1xf32>
    %min3A_241 = arith.constant 7.900000e+01 : f32
    %min3A_242 = vector.broadcast %min3A_241 : f32 to vector<1024x1xf32>
    %min3A_243 = arith.minimumf %broadcast_in_dim3A_230, %min3A_242 : vector<1024x1xf32>
    %convert_element_type3A_244 = arith.fptosi %min3A_243 : vector<1024x1xf32> to vector<1024x1xi32>
    %mul3A_245 = arith.constant 256 : i32
    %mul3A_246 = vector.broadcast %mul3A_245 : i32 to vector<1024x1xi32>
    %mul3A_247 = arith.muli %broadcast_in_dim3A_212, %mul3A_246 : vector<1024x1xi32>
    %add3A_248 = arith.constant 160 : i32
    %add3A_249 = vector.broadcast %add3A_248 : i32 to vector<1024x1xi32>
    %add3A_250 = arith.addi %mul3A_247, %add3A_249 : vector<1024x1xi32>
    %add3A_251 = arith.addi %add3A_250, %convert_element_type3A_244 : vector<1024x1xi32>
    %mul3A_252 = arith.constant 256 : i32
    %mul3A_253 = vector.broadcast %mul3A_252 : i32 to vector<1024x1xi32>
    %mul3A_254 = arith.muli %broadcast_in_dim3A_212, %mul3A_253 : vector<1024x1xi32>
    %add3A_255 = arith.constant 240 : i32
    %add3A_256 = vector.broadcast %add3A_255 : i32 to vector<1024x1xi32>
    %add3A_257 = arith.addi %mul3A_254, %add3A_256 : vector<1024x1xi32>
    %add3A_258 = arith.constant 2 : i32
    %add3A_259 = vector.broadcast %add3A_258 : i32 to vector<1024x1xi32>
    %add3A_260 = arith.addi %add3A_257, %add3A_259 : vector<1024x1xi32>
    %select_n3A_261 = arith.select %lt3A_240, %add3A_251, %add3A_260 : vector<1024x1xi1>, vector<1024x1xi32>
    %jit3A_262 = arith.constant 0.000000e+00 : f32
    %broadcast_in_dim3A_263 = vector.broadcast %jit3A_262 : f32 to vector<1024x1xf32>
    %select_n3A_264 = arith.select %lt3A_240, %div3A_197, %broadcast_in_dim3A_263 : vector<1024x1xi1>, vector<1024x1xf32>
    %broadcast_in_dim3A_265 = arith.constant 0 : i32
    %broadcast_in_dim3A_266 = vector.broadcast %broadcast_in_dim3A_265 : i32 to vector<1024x125xi32>
    %concatenate3A = tpu.concatenate %select_n3A_101, %select_n3A_181, %select_n3A_261, %broadcast_in_dim3A_266 in 1 : vector<1024x1xi32>, vector<1024x1xi32>, vector<1024x1xi32>, vector<1024x125xi32> -> vector<1024x128xi32>
    %swap3A_267 = arith.constant 0 : index
    %swap3A_268 = arith.constant 0 : index
    %swap3A_269 = vector.load %arg8[%swap3A_267, %swap3A_268] : memref<1024x128xi32, #tpu.memory_space<vmem>>, vector<1024x128xi32>
    tpu.vector_store %arg8[%swap3A_267, %swap3A_268], %concatenate3A {strides = array<i32>} : memref<1024x128xi32, #tpu.memory_space<vmem>>, vector<1024x128xi32>,
    %slice3A_270 = vector.extract_strided_slice %add3A_27 {offsets = [0, 0], sizes = [1024, 384], strides = [1, 1]} : vector<1024x768xf32> to vector<1024x384xf32>
    %bitcast_convert_type3A = tpu.bitcast %slice3A_270 : vector<1024x384xf32> -> vector<1024x384xi32>
    %shift_right_arithmetic3A = arith.constant 16 : i32
    %shift_right_arithmetic3A_271 = vector.broadcast %shift_right_arithmetic3A : i32 to vector<1024x384xi32>
    %shift_right_arithmetic3A_272 = arith.shrsi %bitcast_convert_type3A, %shift_right_arithmetic3A_271 : vector<1024x384xi32>
    %and3A = arith.constant 1 : i32
    %and3A_273 = vector.broadcast %and3A : i32 to vector<1024x384xi32>
    %and3A_274 = arith.andi %shift_right_arithmetic3A_272, %and3A_273 : vector<1024x384xi32>
    %add3A_275 = arith.constant 32767 : i32
    %add3A_276 = vector.broadcast %add3A_275 : i32 to vector<1024x384xi32>
    %add3A_277 = arith.addi %bitcast_convert_type3A, %add3A_276 : vector<1024x384xi32>
    %add3A_278 = arith.addi %add3A_277, %and3A_274 : vector<1024x384xi32>
    %and3A_279 = arith.constant -65536 : i32
    %and3A_280 = vector.broadcast %and3A_279 : i32 to vector<1024x384xi32>
    %and3A_281 = arith.andi %add3A_278, %and3A_280 : vector<1024x384xi32>
    %shift_right_arithmetic3A_282 = arith.constant 16 : i32
    %shift_right_arithmetic3A_283 = vector.broadcast %shift_right_arithmetic3A_282 : i32 to vector<1024x384xi32>
    %shift_right_arithmetic3A_284 = arith.shrsi %and3A_281, %shift_right_arithmetic3A_283 : vector<1024x384xi32>
    %and3A_285 = arith.constant 65535 : i32
    %and3A_286 = vector.broadcast %and3A_285 : i32 to vector<1024x384xi32>
    %and3A_287 = arith.andi %shift_right_arithmetic3A_284, %and3A_286 : vector<1024x384xi32>
    %slice3A_288 = vector.extract_strided_slice %add3A_27 {offsets = [0, 384], sizes = [1024, 384], strides = [1, 1]} : vector<1024x768xf32> to vector<1024x384xf32>
    %bitcast_convert_type3A_289 = tpu.bitcast %slice3A_288 : vector<1024x384xf32> -> vector<1024x384xi32>
    %shift_right_arithmetic3A_290 = arith.constant 16 : i32
    %shift_right_arithmetic3A_291 = vector.broadcast %shift_right_arithmetic3A_290 : i32 to vector<1024x384xi32>
    %shift_right_arithmetic3A_292 = arith.shrsi %bitcast_convert_type3A_289, %shift_right_arithmetic3A_291 : vector<1024x384xi32>
    %and3A_293 = arith.constant 1 : i32
    %and3A_294 = vector.broadcast %and3A_293 : i32 to vector<1024x384xi32>
    %and3A_295 = arith.andi %shift_right_arithmetic3A_292, %and3A_294 : vector<1024x384xi32>
    %add3A_296 = arith.constant 32767 : i32
    %add3A_297 = vector.broadcast %add3A_296 : i32 to vector<1024x384xi32>
    %add3A_298 = arith.addi %bitcast_convert_type3A_289, %add3A_297 : vector<1024x384xi32>
    %add3A_299 = arith.addi %add3A_298, %and3A_295 : vector<1024x384xi32>
    %and3A_300 = arith.constant -65536 : i32
    %and3A_301 = vector.broadcast %and3A_300 : i32 to vector<1024x384xi32>
    %and3A_302 = arith.andi %add3A_299, %and3A_301 : vector<1024x384xi32>
    %or3A = arith.ori %and3A_302, %and3A_287 : vector<1024x384xi32>
    %bitcast_convert_type3A_303 = tpu.bitcast %or3A : vector<1024x384xi32> -> vector<1024x384xf32>
    %broadcast_in_dim3A_304 = arith.constant 0.000000e+00 : f32
    %broadcast_in_dim3A_305 = vector.broadcast %broadcast_in_dim3A_304 : f32 to vector<1024x125xf32>
    %concatenate3A_306 = tpu.concatenate %bitcast_convert_type3A_303, %select_n3A_104, %select_n3A_184, %select_n3A_264, %broadcast_in_dim3A_305 in 1 : vector<1024x384xf32>, vector<1024x1xf32>, vector<1024x1xf32>, vector<1024x1xf32>, vector<1024x125xf32> -> vector<1024x512xf32>
    %swap3A_307 = arith.constant 0 : index
    %swap3A_308 = arith.constant 0 : index
    %swap3A_309 = vector.load %arg7[%swap3A_307, %swap3A_308] : memref<1024x512xf32, #tpu.memory_space<vmem>>, vector<1024x512xf32>
    tpu.vector_store %arg7[%swap3A_307, %swap3A_308], %concatenate3A_306 {strides = array<i32>} : memref<1024x512xf32, #tpu.memory_space<vmem>>, vector<1024x512xf32>,
    %concatenate3A_310 = tpu.concatenate %broadcast_in_dim3A_49, %broadcast_in_dim3A_122, %broadcast_in_dim3A_202 in 1 : vector<1x64xf32>, vector<1x64xf32>, vector<1x64xf32> -> vector<1x192xf32>
    %get3A_311 = arith.constant 0 : index
    %get3A_312 = arith.constant 0 : index
    %get3A_313 = vector.load %arg11[%get3A_311, %get3A_312] : memref<8x192xf32, #tpu.memory_space<vmem>>, vector<8x192xf32>
    %broadcast_in_dim3A_314 = vector.shape_cast %concatenate3A_310 : vector<1x192xf32> to vector<1x192xf32>
    %broadcast_in_dim3A_315 = vector.broadcast %broadcast_in_dim3A_314 : vector<1x192xf32> to vector<8x192xf32>
    %add3A_316 = arith.addf %get3A_313, %broadcast_in_dim3A_315 : vector<8x192xf32>
    %swap3A_317 = arith.constant 0 : index
    %swap3A_318 = arith.constant 0 : index
    %swap3A_319 = vector.load %arg11[%swap3A_317, %swap3A_318] : memref<8x192xf32, #tpu.memory_space<vmem>>, vector<8x192xf32>
    tpu.vector_store %arg11[%swap3A_317, %swap3A_318], %add3A_316 {strides = array<i32>} : memref<8x192xf32, #tpu.memory_space<vmem>>, vector<8x192xf32>,
    %get3A_320 = arith.constant 0 : index
    %get3A_321 = arith.constant 0 : index
    %get3A_322 = vector.load %arg11[%get3A_320, %get3A_321] : memref<8x192xf32, #tpu.memory_space<vmem>>, vector<1x64xf32>
    %reduce_sum3A_323 = vector.shape_cast %get3A_322 : vector<1x64xf32> to vector<1x1x64xf32>
    %reduce_sum3A_324 = arith.constant dense<0.000000e+00> : vector<1xf32>
    %reduce_sum3A_325 = vector.multi_reduction <add>, %reduce_sum3A_323, %reduce_sum3A_324 [1, 2] : vector<1x1x64xf32> to vector<1xf32>
    %reduce_sum3A_326 = vector.shape_cast %reduce_sum3A_325 : vector<1xf32> to vector<1x1x1xf32>
    %reduce_sum3A_327 = vector.extract %reduce_sum3A_326[0, 0, 0] : f32 from vector<1x1x1xf32>
    %div3A_328 = arith.constant 6.400000e+01 : f32
    %div3A_329 = arith.divf %reduce_sum3A_327, %div3A_328 : f32
    %sub3A_330 = vector.broadcast %div3A_329 : f32 to vector<1x64xf32>
    %sub3A_331 = arith.subf %get3A_322, %sub3A_330 : vector<1x64xf32>
    %integer_pow3A = arith.mulf %sub3A_331, %sub3A_331 : vector<1x64xf32>
    %reduce_sum3A_332 = vector.shape_cast %integer_pow3A : vector<1x64xf32> to vector<1x1x64xf32>
    %reduce_sum3A_333 = arith.constant dense<0.000000e+00> : vector<1xf32>
    %reduce_sum3A_334 = vector.multi_reduction <add>, %reduce_sum3A_332, %reduce_sum3A_333 [1, 2] : vector<1x1x64xf32> to vector<1xf32>
    %reduce_sum3A_335 = vector.shape_cast %reduce_sum3A_334 : vector<1xf32> to vector<1x1x1xf32>
    %reduce_sum3A_336 = vector.extract %reduce_sum3A_335[0, 0, 0] : f32 from vector<1x1x1xf32>
    %div3A_337 = arith.constant 6.400000e+01 : f32
    %div3A_338 = arith.divf %reduce_sum3A_336, %div3A_337 : f32
    %mul3A_339 = arith.mulf %div3A_329, %div3A_329 : f32
    %add3A_340 = arith.constant 9.99999971E-10 : f32
    %add3A_341 = arith.addf %mul3A_339, %add3A_340 : f32
    %div3A_342 = arith.divf %div3A_338, %add3A_341 : f32
    %add3A_343 = arith.constant 0.000000e+00 : f32
    %add3A_344 = arith.addf %add3A_343, %div3A_342 : f32
    %get3A_345 = arith.constant 0 : index
    %get3A_346 = arith.constant 64 : index
    %get3A_347 = vector.load %arg11[%get3A_345, %get3A_346] : memref<8x192xf32, #tpu.memory_space<vmem>>, vector<1x64xf32>
    %reduce_sum3A_348 = vector.shape_cast %get3A_347 : vector<1x64xf32> to vector<1x1x64xf32>
    %reduce_sum3A_349 = arith.constant dense<0.000000e+00> : vector<1xf32>
    %reduce_sum3A_350 = vector.multi_reduction <add>, %reduce_sum3A_348, %reduce_sum3A_349 [1, 2] : vector<1x1x64xf32> to vector<1xf32>
    %reduce_sum3A_351 = vector.shape_cast %reduce_sum3A_350 : vector<1xf32> to vector<1x1x1xf32>
    %reduce_sum3A_352 = vector.extract %reduce_sum3A_351[0, 0, 0] : f32 from vector<1x1x1xf32>
    %div3A_353 = arith.constant 6.400000e+01 : f32
    %div3A_354 = arith.divf %reduce_sum3A_352, %div3A_353 : f32
    %sub3A_355 = vector.broadcast %div3A_354 : f32 to vector<1x64xf32>
    %sub3A_356 = arith.subf %get3A_347, %sub3A_355 : vector<1x64xf32>
    %integer_pow3A_357 = arith.mulf %sub3A_356, %sub3A_356 : vector<1x64xf32>
    %reduce_sum3A_358 = vector.shape_cast %integer_pow3A_357 : vector<1x64xf32> to vector<1x1x64xf32>
    %reduce_sum3A_359 = arith.constant dense<0.000000e+00> : vector<1xf32>
    %reduce_sum3A_360 = vector.multi_reduction <add>, %reduce_sum3A_358, %reduce_sum3A_359 [1, 2] : vector<1x1x64xf32> to vector<1xf32>
    %reduce_sum3A_361 = vector.shape_cast %reduce_sum3A_360 : vector<1xf32> to vector<1x1x1xf32>
    %reduce_sum3A_362 = vector.extract %reduce_sum3A_361[0, 0, 0] : f32 from vector<1x1x1xf32>
    %div3A_363 = arith.constant 6.400000e+01 : f32
    %div3A_364 = arith.divf %reduce_sum3A_362, %div3A_363 : f32
    %mul3A_365 = arith.mulf %div3A_354, %div3A_354 : f32
    %add3A_366 = arith.constant 9.99999971E-10 : f32
    %add3A_367 = arith.addf %mul3A_365, %add3A_366 : f32
    %div3A_368 = arith.divf %div3A_364, %add3A_367 : f32
    %add3A_369 = arith.addf %add3A_344, %div3A_368 : f32
    %get3A_370 = arith.constant 0 : index
    %get3A_371 = arith.constant 128 : index
    %get3A_372 = vector.load %arg11[%get3A_370, %get3A_371] : memref<8x192xf32, #tpu.memory_space<vmem>>, vector<1x64xf32>
    %reduce_sum3A_373 = vector.shape_cast %get3A_372 : vector<1x64xf32> to vector<1x1x64xf32>
    %reduce_sum3A_374 = arith.constant dense<0.000000e+00> : vector<1xf32>
    %reduce_sum3A_375 = vector.multi_reduction <add>, %reduce_sum3A_373, %reduce_sum3A_374 [1, 2] : vector<1x1x64xf32> to vector<1xf32>
    %reduce_sum3A_376 = vector.shape_cast %reduce_sum3A_375 : vector<1xf32> to vector<1x1x1xf32>
    %reduce_sum3A_377 = vector.extract %reduce_sum3A_376[0, 0, 0] : f32 from vector<1x1x1xf32>
    %div3A_378 = arith.constant 6.400000e+01 : f32
    %div3A_379 = arith.divf %reduce_sum3A_377, %div3A_378 : f32
    %sub3A_380 = vector.broadcast %div3A_379 : f32 to vector<1x64xf32>
    %sub3A_381 = arith.subf %get3A_372, %sub3A_380 : vector<1x64xf32>
    %integer_pow3A_382 = arith.mulf %sub3A_381, %sub3A_381 : vector<1x64xf32>
    %reduce_sum3A_383 = vector.shape_cast %integer_pow3A_382 : vector<1x64xf32> to vector<1x1x64xf32>
    %reduce_sum3A_384 = arith.constant dense<0.000000e+00> : vector<1xf32>
    %reduce_sum3A_385 = vector.multi_reduction <add>, %reduce_sum3A_383, %reduce_sum3A_384 [1, 2] : vector<1x1x64xf32> to vector<1xf32>
    %reduce_sum3A_386 = vector.shape_cast %reduce_sum3A_385 : vector<1xf32> to vector<1x1x1xf32>
    %reduce_sum3A_387 = vector.extract %reduce_sum3A_386[0, 0, 0] : f32 from vector<1x1x1xf32>
    %div3A_388 = arith.constant 6.400000e+01 : f32
    %div3A_389 = arith.divf %reduce_sum3A_387, %div3A_388 : f32
    %mul3A_390 = arith.mulf %div3A_379, %div3A_379 : f32
    %add3A_391 = arith.constant 9.99999971E-10 : f32
    %add3A_392 = arith.addf %mul3A_390, %add3A_391 : f32
    %div3A_393 = arith.divf %div3A_389, %add3A_392 : f32
    %add3A_394 = arith.addf %add3A_369, %div3A_393 : f32
    %div3A_395 = arith.constant 3.000000e+00 : f32
    %div3A_396 = arith.divf %add3A_394, %div3A_395 : f32
    %broadcast_in_dim3A_397 = vector.broadcast %div3A_396 : f32 to vector<8x128xf32>
    %swap3A_398 = arith.constant 0 : index
    %swap3A_399 = arith.constant 0 : index
    %swap3A_400 = vector.load %arg9[%swap3A_398, %swap3A_399] : memref<8x128xf32, #tpu.memory_space<vmem>>, vector<8x128xf32>
    tpu.vector_store %arg9[%swap3A_398, %swap3A_399], %broadcast_in_dim3A_397 {strides = array<i32>} : memref<8x128xf32, #tpu.memory_space<vmem>>, vector<8x128xf32>,
    return
  }
  func.func @transform_0(%arg0: i32) -> (i32, i32) {
    %c0_i32 = arith.constant 0 : i32
    %c0_i32_0 = arith.constant 0 : i32
    return %arg0, %c0_i32 : i32, i32
  }
  func.func @transform_1(%arg0: i32) -> (i32, i32) {
    %c0_i32 = arith.constant 0 : i32
    %c0_i32_0 = arith.constant 0 : i32
    %c0_i32_1 = arith.constant 0 : i32
    return %c0_i32, %c0_i32_0 : i32, i32
  }
  func.func @transform_2(%arg0: i32) -> (i32, i32) {
    %c0_i32 = arith.constant 0 : i32
    %c0_i32_0 = arith.constant 0 : i32
    %c0_i32_1 = arith.constant 0 : i32
    return %c0_i32, %c0_i32_0 : i32, i32
  }
  func.func @transform_3(%arg0: i32) -> (i32, i32) {
    %c0_i32 = arith.constant 0 : i32
    %c0_i32_0 = arith.constant 0 : i32
    %c0_i32_1 = arith.constant 0 : i32
    return %c0_i32, %c0_i32_0 : i32, i32
  }
  func.func @transform_4(%arg0: i32) -> (i32, i32) {
    %c0_i32 = arith.constant 0 : i32
    %c0_i32_0 = arith.constant 0 : i32
    %c0_i32_1 = arith.constant 0 : i32
    return %c0_i32, %c0_i32_0 : i32, i32
  }
  func.func @transform_5(%arg0: i32) -> (i32, i32) {
    %c0_i32 = arith.constant 0 : i32
    %c0_i32_0 = arith.constant 0 : i32
    %c0_i32_1 = arith.constant 0 : i32
    return %c0_i32, %c0_i32_0 : i32, i32
  }
  func.func @transform_6(%arg0: i32) -> (i32, i32) {
    %c0_i32 = arith.constant 0 : i32
    %c0_i32_0 = arith.constant 0 : i32
    return %arg0, %c0_i32 : i32, i32
  }
  func.func @transform_7(%arg0: i32) -> (i32, i32) {
    %c0_i32 = arith.constant 0 : i32
    %c0_i32_0 = arith.constant 0 : i32
    return %arg0, %c0_i32 : i32, i32
  }
  func.func @transform_8(%arg0: i32) -> (i32, i32) {
    %c0_i32 = arith.constant 0 : i32
    %c0_i32_0 = arith.constant 0 : i32
    %c0_i32_1 = arith.constant 0 : i32
    return %c0_i32, %c0_i32_0 : i32, i32
  }
}

module attributes {stable_mosaic.version = 14 : i64} {
  func.func @_ffn_body(%arg0: i32, %arg1: memref<256x512xf32, #tpu.memory_space<vmem>>, %arg2: memref<1x768x512xbf16, #tpu.memory_space<vmem>>, %arg3: memref<1x1x512xf32, #tpu.memory_space<vmem>>, %arg4: memref<1x512x768xf32, #tpu.memory_space<vmem>>, %arg5: memref<1x1x768xf32, #tpu.memory_space<vmem>>, %arg6: memref<3x768x128xbf16, #tpu.memory_space<vmem>>, %arg7: memref<3x1x128xf32, #tpu.memory_space<vmem>>, %arg8: memref<3x1x128xf32, #tpu.memory_space<vmem>>, %arg9: memref<3x1x128xf32, #tpu.memory_space<vmem>>, %arg10: memref<128x128xf32, #tpu.memory_space<vmem>>) attributes {dimension_semantics = [#tpu.dimension_semantics<arbitrary>], iteration_bounds = array<i64: 64>, scalar_prefetch = 0 : i64, scratch_operands = 0 : i64, tpu.core_type = #tpu.core_type<tc>, window_params = [{transform_indices = @transform_0, window_bounds = array<i64: 256, 512>}, {transform_indices = @transform_1, window_bounds = array<i64: 1, 768, 512>}, {transform_indices = @transform_2, window_bounds = array<i64: 1, 1, 512>}, {transform_indices = @transform_3, window_bounds = array<i64: 1, 512, 768>}, {transform_indices = @transform_4, window_bounds = array<i64: 1, 1, 768>}, {pipeline_mode = #tpu.pipeline_mode<synchronous>, transform_indices = @transform_5, window_bounds = array<i64: 3, 768, 128>}, {pipeline_mode = #tpu.pipeline_mode<synchronous>, transform_indices = @transform_6, window_bounds = array<i64: 3, 1, 128>}, {pipeline_mode = #tpu.pipeline_mode<synchronous>, transform_indices = @transform_7, window_bounds = array<i64: 3, 1, 128>}, {pipeline_mode = #tpu.pipeline_mode<synchronous>, transform_indices = @transform_8, window_bounds = array<i64: 3, 1, 128>}, {pipeline_mode = #tpu.pipeline_mode<synchronous>, transform_indices = @transform_9, window_bounds = array<i64: 128, 128>}]} {
    %get3A = arith.constant 0 : index
    %get3A_0 = arith.constant 0 : index
    %get3A_1 = vector.load %arg1[%get3A, %get3A_0] : memref<256x512xf32, #tpu.memory_space<vmem>>, vector<256x512xf32>
    %slice3A = vector.extract_strided_slice %get3A_1 {offsets = [0, 0], sizes = [256, 384], strides = [1, 1]} : vector<256x512xf32> to vector<256x384xf32>
    %bitcast_convert_type3A = tpu.bitcast %slice3A : vector<256x384xf32> -> vector<256x384xi32>
    %shift_left3A = arith.constant 16 : i32
    %shift_left3A_2 = vector.broadcast %shift_left3A : i32 to vector<256x384xi32>
    %shift_left3A_3 = arith.shli %bitcast_convert_type3A, %shift_left3A_2 : vector<256x384xi32>
    %bitcast_convert_type3A_4 = tpu.bitcast %shift_left3A_3 : vector<256x384xi32> -> vector<256x384xf32>
    %and3A = arith.constant -65536 : i32
    %and3A_5 = vector.broadcast %and3A : i32 to vector<256x384xi32>
    %and3A_6 = arith.andi %bitcast_convert_type3A, %and3A_5 : vector<256x384xi32>
    %bitcast_convert_type3A_7 = tpu.bitcast %and3A_6 : vector<256x384xi32> -> vector<256x384xf32>
    %concatenate3A = tpu.concatenate %bitcast_convert_type3A_4, %bitcast_convert_type3A_7 in 1 : vector<256x384xf32>, vector<256x384xf32> -> vector<256x768xf32>
    %ne3A = arith.cmpf one, %concatenate3A, %concatenate3A : vector<256x768xf32>
    %jit3A = arith.constant 0.000000e+00 : f32
    %broadcast_in_dim3A = vector.broadcast %jit3A : f32 to vector<256x768xf32>
    %select_n3A = arith.select %ne3A, %broadcast_in_dim3A, %concatenate3A : vector<256x768xi1>, vector<256x768xf32>
    %jit3A_8 = arith.constant -1.000000e+30 : f32
    %jit3A_9 = arith.constant 1.000000e+30 : f32
    %max3A = vector.broadcast %jit3A_8 : f32 to vector<256x768xf32>
    %max3A_10 = arith.maximumf %max3A, %select_n3A : vector<256x768xf32>
    %min3A = vector.broadcast %jit3A_9 : f32 to vector<256x768xf32>
    %min3A_11 = arith.minimumf %min3A, %max3A_10 : vector<256x768xf32>
    %convert_element_type3A = arith.truncf %min3A_11 : vector<256x768xf32> to vector<256x768xbf16>
    %get3A_12 = arith.constant 0 : index
    %get3A_13 = arith.constant 0 : index
    %get3A_14 = arith.constant 0 : index
    %get3A_15 = vector.load %arg2[%get3A_12, %get3A_13, %get3A_14] : memref<1x768x512xbf16, #tpu.memory_space<vmem>>, vector<1x768x512xbf16>
    %get3A_16 = vector.shape_cast %get3A_15 : vector<1x768x512xbf16> to vector<768x512xbf16>
    %dot_general3A = arith.constant dense<0.000000e+00> : vector<256x512xf32>
    %dot_general3A_17 = tpu.matmul %convert_element_type3A, %get3A_16, %dot_general3A {dimension_numbers = #tpu.dot_dimension_numbers<[1], [0], [0], [1], [0, 0, 1, 1], [], []>, transpose_lhs_hint = false} : vector<256x768xbf16>, vector<768x512xbf16>, vector<256x512xf32> -> vector<256x512xf32>
    %get3A_18 = arith.constant 0 : index
    %get3A_19 = arith.constant 0 : index
    %get3A_20 = arith.constant 0 : index
    %get3A_21 = vector.load %arg3[%get3A_18, %get3A_19, %get3A_20] : memref<1x1x512xf32, #tpu.memory_space<vmem>>, vector<1x1x512xf32>
    %get3A_22 = vector.shape_cast %get3A_21 : vector<1x1x512xf32> to vector<1x512xf32>
    %add3A = vector.broadcast %get3A_22 : vector<1x512xf32> to vector<256x512xf32>
    %add3A_23 = arith.addf %dot_general3A_17, %add3A : vector<256x512xf32>
    %max3A_24 = arith.constant 0.000000e+00 : f32
    %max3A_25 = vector.broadcast %max3A_24 : f32 to vector<256x512xf32>
    %max3A_26 = arith.maximumf %add3A_23, %max3A_25 : vector<256x512xf32>
    %convert_element_type3A_27 = arith.truncf %max3A_26 : vector<256x512xf32> to vector<256x512xbf16>
    %get3A_28 = arith.constant 0 : index
    %get3A_29 = arith.constant 0 : index
    %get3A_30 = arith.constant 0 : index
    %get3A_31 = vector.load %arg4[%get3A_28, %get3A_29, %get3A_30] : memref<1x512x768xf32, #tpu.memory_space<vmem>>, vector<1x512x768xf32>
    %get3A_32 = vector.shape_cast %get3A_31 : vector<1x512x768xf32> to vector<512x768xf32>
    %convert_element_type3A_33 = arith.truncf %get3A_32 : vector<512x768xf32> to vector<512x768xbf16>
    %dot_general3A_34 = arith.constant dense<0.000000e+00> : vector<256x768xf32>
    %dot_general3A_35 = tpu.matmul %convert_element_type3A_27, %convert_element_type3A_33, %dot_general3A_34 {dimension_numbers = #tpu.dot_dimension_numbers<[1], [0], [0], [1], [0, 0, 1, 1], [], []>, transpose_lhs_hint = false} : vector<256x512xbf16>, vector<512x768xbf16>, vector<256x768xf32> -> vector<256x768xf32>
    %get3A_36 = arith.constant 0 : index
    %get3A_37 = arith.constant 0 : index
    %get3A_38 = arith.constant 0 : index
    %get3A_39 = vector.load %arg5[%get3A_36, %get3A_37, %get3A_38] : memref<1x1x768xf32, #tpu.memory_space<vmem>>, vector<1x1x768xf32>
    %get3A_40 = vector.shape_cast %get3A_39 : vector<1x1x768xf32> to vector<1x768xf32>
    %add3A_41 = vector.broadcast %get3A_40 : vector<1x768xf32> to vector<256x768xf32>
    %add3A_42 = arith.addf %dot_general3A_35, %add3A_41 : vector<256x768xf32>
    %slice3A_43 = vector.extract_strided_slice %get3A_1 {offsets = [0, 384], sizes = [80, 1], strides = [1, 1]} : vector<256x512xf32> to vector<80x1xf32>
    %ne3A_44 = arith.cmpf one, %slice3A_43, %slice3A_43 : vector<80x1xf32>
    %jit3A_45 = arith.constant -1.000000e+30 : f32
    %jit3A_46 = arith.constant 1.000000e+30 : f32
    %max3A_47 = vector.broadcast %jit3A_45 : f32 to vector<80x1xf32>
    %max3A_48 = arith.maximumf %max3A_47, %slice3A_43 : vector<80x1xf32>
    %min3A_49 = vector.broadcast %jit3A_46 : f32 to vector<80x1xf32>
    %min3A_50 = arith.minimumf %min3A_49, %max3A_48 : vector<80x1xf32>
    %jit3A_51 = arith.constant 0.000000e+00 : f32
    %broadcast_in_dim3A_52 = vector.broadcast %jit3A_51 : f32 to vector<80x1xf32>
    %select_n3A_53 = arith.select %ne3A_44, %broadcast_in_dim3A_52, %min3A_50 : vector<80x1xi1>, vector<80x1xf32>
    %slice3A_54 = vector.extract_strided_slice %add3A_42 {offsets = [0, 0], sizes = [80, 768], strides = [1, 1]} : vector<256x768xf32> to vector<80x768xf32>
    %mul3A = vector.broadcast %select_n3A_53 : vector<80x1xf32> to vector<80x768xf32>
    %mul3A_55 = arith.mulf %slice3A_54, %mul3A : vector<80x768xf32>
    %convert_element_type3A_56 = arith.truncf %mul3A_55 : vector<80x768xf32> to vector<80x768xbf16>
    %get3A_57 = arith.constant 0 : index
    %get3A_58 = arith.constant 0 : index
    %get3A_59 = arith.constant 0 : index
    %get3A_60 = vector.load %arg6[%get3A_57, %get3A_58, %get3A_59] : memref<3x768x128xbf16, #tpu.memory_space<vmem>>, vector<1x768x128xbf16>
    %get3A_61 = vector.shape_cast %get3A_60 : vector<1x768x128xbf16> to vector<768x128xbf16>
    %dot_general3A_62 = arith.constant dense<0.000000e+00> : vector<80x128xf32>
    %dot_general3A_63 = tpu.matmul %convert_element_type3A_56, %get3A_61, %dot_general3A_62 {dimension_numbers = #tpu.dot_dimension_numbers<[1], [0], [0], [1], [0, 0, 1, 1], [], []>, transpose_lhs_hint = false} : vector<80x768xbf16>, vector<768x128xbf16>, vector<80x128xf32> -> vector<80x128xf32>
    %get3A_64 = arith.constant 0 : index
    %get3A_65 = arith.constant 0 : index
    %get3A_66 = arith.constant 0 : index
    %get3A_67 = vector.load %arg7[%get3A_64, %get3A_65, %get3A_66] : memref<3x1x128xf32, #tpu.memory_space<vmem>>, vector<1x1x128xf32>
    %get3A_68 = vector.shape_cast %get3A_67 : vector<1x1x128xf32> to vector<1x128xf32>
    %add3A_69 = vector.broadcast %get3A_68 : vector<1x128xf32> to vector<80x128xf32>
    %add3A_70 = arith.addf %dot_general3A_63, %add3A_69 : vector<80x128xf32>
    %max3A_71 = arith.constant 0.000000e+00 : f32
    %max3A_72 = vector.broadcast %max3A_71 : f32 to vector<80x128xf32>
    %max3A_73 = arith.maximumf %add3A_70, %max3A_72 : vector<80x128xf32>
    %get3A_74 = arith.constant 0 : index
    %get3A_75 = arith.constant 0 : index
    %get3A_76 = arith.constant 0 : index
    %get3A_77 = vector.load %arg9[%get3A_74, %get3A_75, %get3A_76] : memref<3x1x128xf32, #tpu.memory_space<vmem>>, vector<1x1x128xf32>
    %get3A_78 = vector.shape_cast %get3A_77 : vector<1x1x128xf32> to vector<1x128xf32>
    %reduce_max3A = arith.constant dense<0xFF800000> : vector<1xf32>
    %reduce_max3A_79 = vector.multi_reduction <maximumf>, %get3A_78, %reduce_max3A [1] : vector<1x128xf32> to vector<1xf32>
    %broadcast_in_dim3A_80 = vector.shape_cast %reduce_max3A_79 : vector<1xf32> to vector<1x1xf32>
    %get3A_81 = arith.constant 0 : index
    %get3A_82 = arith.constant 0 : index
    %get3A_83 = arith.constant 0 : index
    %get3A_84 = vector.load %arg8[%get3A_81, %get3A_82, %get3A_83] : memref<3x1x128xf32, #tpu.memory_space<vmem>>, vector<1x1x128xf32>
    %get3A_85 = vector.shape_cast %get3A_84 : vector<1x1x128xf32> to vector<1x128xf32>
    %mul3A_86 = vector.broadcast %get3A_85 : vector<1x128xf32> to vector<80x128xf32>
    %mul3A_87 = arith.mulf %max3A_73, %mul3A_86 : vector<80x128xf32>
    %reduce_sum3A = arith.constant dense<0.000000e+00> : vector<80xf32>
    %reduce_sum3A_88 = vector.multi_reduction <add>, %mul3A_87, %reduce_sum3A [1] : vector<80x128xf32> to vector<80xf32>
    %broadcast_in_dim3A_89 = vector.shape_cast %reduce_sum3A_88 : vector<80xf32> to vector<80x1xf32>
    %add3A_90 = vector.broadcast %broadcast_in_dim3A_80 : vector<1x1xf32> to vector<80x1xf32>
    %add3A_91 = arith.addf %broadcast_in_dim3A_89, %add3A_90 : vector<80x1xf32>
    %slice3A_92 = vector.extract_strided_slice %get3A_1 {offsets = [80, 385], sizes = [80, 1], strides = [1, 1]} : vector<256x512xf32> to vector<80x1xf32>
    %ne3A_93 = arith.cmpf one, %slice3A_92, %slice3A_92 : vector<80x1xf32>
    %jit3A_94 = arith.constant -1.000000e+30 : f32
    %jit3A_95 = arith.constant 1.000000e+30 : f32
    %max3A_96 = vector.broadcast %jit3A_94 : f32 to vector<80x1xf32>
    %max3A_97 = arith.maximumf %max3A_96, %slice3A_92 : vector<80x1xf32>
    %min3A_98 = vector.broadcast %jit3A_95 : f32 to vector<80x1xf32>
    %min3A_99 = arith.minimumf %min3A_98, %max3A_97 : vector<80x1xf32>
    %jit3A_100 = arith.constant 0.000000e+00 : f32
    %broadcast_in_dim3A_101 = vector.broadcast %jit3A_100 : f32 to vector<80x1xf32>
    %select_n3A_102 = arith.select %ne3A_93, %broadcast_in_dim3A_101, %min3A_99 : vector<80x1xi1>, vector<80x1xf32>
    %slice3A_103 = vector.extract_strided_slice %add3A_42 {offsets = [80, 0], sizes = [80, 768], strides = [1, 1]} : vector<256x768xf32> to vector<80x768xf32>
    %mul3A_104 = vector.broadcast %select_n3A_102 : vector<80x1xf32> to vector<80x768xf32>
    %mul3A_105 = arith.mulf %slice3A_103, %mul3A_104 : vector<80x768xf32>
    %convert_element_type3A_106 = arith.truncf %mul3A_105 : vector<80x768xf32> to vector<80x768xbf16>
    %get3A_107 = arith.constant 1 : index
    %get3A_108 = arith.constant 0 : index
    %get3A_109 = arith.constant 0 : index
    %get3A_110 = vector.load %arg6[%get3A_107, %get3A_108, %get3A_109] : memref<3x768x128xbf16, #tpu.memory_space<vmem>>, vector<1x768x128xbf16>
    %get3A_111 = vector.shape_cast %get3A_110 : vector<1x768x128xbf16> to vector<768x128xbf16>
    %dot_general3A_112 = arith.constant dense<0.000000e+00> : vector<80x128xf32>
    %dot_general3A_113 = tpu.matmul %convert_element_type3A_106, %get3A_111, %dot_general3A_112 {dimension_numbers = #tpu.dot_dimension_numbers<[1], [0], [0], [1], [0, 0, 1, 1], [], []>, transpose_lhs_hint = false} : vector<80x768xbf16>, vector<768x128xbf16>, vector<80x128xf32> -> vector<80x128xf32>
    %get3A_114 = arith.constant 1 : index
    %get3A_115 = arith.constant 0 : index
    %get3A_116 = arith.constant 0 : index
    %get3A_117 = vector.load %arg7[%get3A_114, %get3A_115, %get3A_116] : memref<3x1x128xf32, #tpu.memory_space<vmem>>, vector<1x1x128xf32>
    %get3A_118 = vector.shape_cast %get3A_117 : vector<1x1x128xf32> to vector<1x128xf32>
    %add3A_119 = vector.broadcast %get3A_118 : vector<1x128xf32> to vector<80x128xf32>
    %add3A_120 = arith.addf %dot_general3A_113, %add3A_119 : vector<80x128xf32>
    %max3A_121 = arith.constant 0.000000e+00 : f32
    %max3A_122 = vector.broadcast %max3A_121 : f32 to vector<80x128xf32>
    %max3A_123 = arith.maximumf %add3A_120, %max3A_122 : vector<80x128xf32>
    %get3A_124 = arith.constant 1 : index
    %get3A_125 = arith.constant 0 : index
    %get3A_126 = arith.constant 0 : index
    %get3A_127 = vector.load %arg9[%get3A_124, %get3A_125, %get3A_126] : memref<3x1x128xf32, #tpu.memory_space<vmem>>, vector<1x1x128xf32>
    %get3A_128 = vector.shape_cast %get3A_127 : vector<1x1x128xf32> to vector<1x128xf32>
    %reduce_max3A_129 = arith.constant dense<0xFF800000> : vector<1xf32>
    %reduce_max3A_130 = vector.multi_reduction <maximumf>, %get3A_128, %reduce_max3A_129 [1] : vector<1x128xf32> to vector<1xf32>
    %broadcast_in_dim3A_131 = vector.shape_cast %reduce_max3A_130 : vector<1xf32> to vector<1x1xf32>
    %get3A_132 = arith.constant 1 : index
    %get3A_133 = arith.constant 0 : index
    %get3A_134 = arith.constant 0 : index
    %get3A_135 = vector.load %arg8[%get3A_132, %get3A_133, %get3A_134] : memref<3x1x128xf32, #tpu.memory_space<vmem>>, vector<1x1x128xf32>
    %get3A_136 = vector.shape_cast %get3A_135 : vector<1x1x128xf32> to vector<1x128xf32>
    %mul3A_137 = vector.broadcast %get3A_136 : vector<1x128xf32> to vector<80x128xf32>
    %mul3A_138 = arith.mulf %max3A_123, %mul3A_137 : vector<80x128xf32>
    %reduce_sum3A_139 = arith.constant dense<0.000000e+00> : vector<80xf32>
    %reduce_sum3A_140 = vector.multi_reduction <add>, %mul3A_138, %reduce_sum3A_139 [1] : vector<80x128xf32> to vector<80xf32>
    %broadcast_in_dim3A_141 = vector.shape_cast %reduce_sum3A_140 : vector<80xf32> to vector<80x1xf32>
    %add3A_142 = vector.broadcast %broadcast_in_dim3A_131 : vector<1x1xf32> to vector<80x1xf32>
    %add3A_143 = arith.addf %broadcast_in_dim3A_141, %add3A_142 : vector<80x1xf32>
    %slice3A_144 = vector.extract_strided_slice %get3A_1 {offsets = [160, 386], sizes = [80, 1], strides = [1, 1]} : vector<256x512xf32> to vector<80x1xf32>
    %ne3A_145 = arith.cmpf one, %slice3A_144, %slice3A_144 : vector<80x1xf32>
    %jit3A_146 = arith.constant -1.000000e+30 : f32
    %jit3A_147 = arith.constant 1.000000e+30 : f32
    %max3A_148 = vector.broadcast %jit3A_146 : f32 to vector<80x1xf32>
    %max3A_149 = arith.maximumf %max3A_148, %slice3A_144 : vector<80x1xf32>
    %min3A_150 = vector.broadcast %jit3A_147 : f32 to vector<80x1xf32>
    %min3A_151 = arith.minimumf %min3A_150, %max3A_149 : vector<80x1xf32>
    %jit3A_152 = arith.constant 0.000000e+00 : f32
    %broadcast_in_dim3A_153 = vector.broadcast %jit3A_152 : f32 to vector<80x1xf32>
    %select_n3A_154 = arith.select %ne3A_145, %broadcast_in_dim3A_153, %min3A_151 : vector<80x1xi1>, vector<80x1xf32>
    %slice3A_155 = vector.extract_strided_slice %add3A_42 {offsets = [160, 0], sizes = [80, 768], strides = [1, 1]} : vector<256x768xf32> to vector<80x768xf32>
    %mul3A_156 = vector.broadcast %select_n3A_154 : vector<80x1xf32> to vector<80x768xf32>
    %mul3A_157 = arith.mulf %slice3A_155, %mul3A_156 : vector<80x768xf32>
    %convert_element_type3A_158 = arith.truncf %mul3A_157 : vector<80x768xf32> to vector<80x768xbf16>
    %get3A_159 = arith.constant 2 : index
    %get3A_160 = arith.constant 0 : index
    %get3A_161 = arith.constant 0 : index
    %get3A_162 = vector.load %arg6[%get3A_159, %get3A_160, %get3A_161] : memref<3x768x128xbf16, #tpu.memory_space<vmem>>, vector<1x768x128xbf16>
    %get3A_163 = vector.shape_cast %get3A_162 : vector<1x768x128xbf16> to vector<768x128xbf16>
    %dot_general3A_164 = arith.constant dense<0.000000e+00> : vector<80x128xf32>
    %dot_general3A_165 = tpu.matmul %convert_element_type3A_158, %get3A_163, %dot_general3A_164 {dimension_numbers = #tpu.dot_dimension_numbers<[1], [0], [0], [1], [0, 0, 1, 1], [], []>, transpose_lhs_hint = false} : vector<80x768xbf16>, vector<768x128xbf16>, vector<80x128xf32> -> vector<80x128xf32>
    %get3A_166 = arith.constant 2 : index
    %get3A_167 = arith.constant 0 : index
    %get3A_168 = arith.constant 0 : index
    %get3A_169 = vector.load %arg7[%get3A_166, %get3A_167, %get3A_168] : memref<3x1x128xf32, #tpu.memory_space<vmem>>, vector<1x1x128xf32>
    %get3A_170 = vector.shape_cast %get3A_169 : vector<1x1x128xf32> to vector<1x128xf32>
    %add3A_171 = vector.broadcast %get3A_170 : vector<1x128xf32> to vector<80x128xf32>
    %add3A_172 = arith.addf %dot_general3A_165, %add3A_171 : vector<80x128xf32>
    %max3A_173 = arith.constant 0.000000e+00 : f32
    %max3A_174 = vector.broadcast %max3A_173 : f32 to vector<80x128xf32>
    %max3A_175 = arith.maximumf %add3A_172, %max3A_174 : vector<80x128xf32>
    %get3A_176 = arith.constant 2 : index
    %get3A_177 = arith.constant 0 : index
    %get3A_178 = arith.constant 0 : index
    %get3A_179 = vector.load %arg9[%get3A_176, %get3A_177, %get3A_178] : memref<3x1x128xf32, #tpu.memory_space<vmem>>, vector<1x1x128xf32>
    %get3A_180 = vector.shape_cast %get3A_179 : vector<1x1x128xf32> to vector<1x128xf32>
    %reduce_max3A_181 = arith.constant dense<0xFF800000> : vector<1xf32>
    %reduce_max3A_182 = vector.multi_reduction <maximumf>, %get3A_180, %reduce_max3A_181 [1] : vector<1x128xf32> to vector<1xf32>
    %broadcast_in_dim3A_183 = vector.shape_cast %reduce_max3A_182 : vector<1xf32> to vector<1x1xf32>
    %get3A_184 = arith.constant 2 : index
    %get3A_185 = arith.constant 0 : index
    %get3A_186 = arith.constant 0 : index
    %get3A_187 = vector.load %arg8[%get3A_184, %get3A_185, %get3A_186] : memref<3x1x128xf32, #tpu.memory_space<vmem>>, vector<1x1x128xf32>
    %get3A_188 = vector.shape_cast %get3A_187 : vector<1x1x128xf32> to vector<1x128xf32>
    %mul3A_189 = vector.broadcast %get3A_188 : vector<1x128xf32> to vector<80x128xf32>
    %mul3A_190 = arith.mulf %max3A_175, %mul3A_189 : vector<80x128xf32>
    %reduce_sum3A_191 = arith.constant dense<0.000000e+00> : vector<80xf32>
    %reduce_sum3A_192 = vector.multi_reduction <add>, %mul3A_190, %reduce_sum3A_191 [1] : vector<80x128xf32> to vector<80xf32>
    %broadcast_in_dim3A_193 = vector.shape_cast %reduce_sum3A_192 : vector<80xf32> to vector<80x1xf32>
    %add3A_194 = vector.broadcast %broadcast_in_dim3A_183 : vector<1x1xf32> to vector<80x1xf32>
    %add3A_195 = arith.addf %broadcast_in_dim3A_193, %add3A_194 : vector<80x1xf32>
    %get3A_196 = arith.constant 0 : index
    %get3A_197 = arith.constant 0 : index
    %get3A_198 = arith.constant 0 : index
    %get3A_199 = vector.load %arg7[%get3A_196, %get3A_197, %get3A_198] : memref<3x1x128xf32, #tpu.memory_space<vmem>>, vector<1x1x128xf32>
    %get3A_200 = vector.shape_cast %get3A_199 : vector<1x1x128xf32> to vector<1x128xf32>
    %max3A_201 = arith.constant 0.000000e+00 : f32
    %max3A_202 = vector.broadcast %max3A_201 : f32 to vector<1x128xf32>
    %max3A_203 = arith.maximumf %get3A_200, %max3A_202 : vector<1x128xf32>
    %get3A_204 = arith.constant 0 : index
    %get3A_205 = arith.constant 0 : index
    %get3A_206 = arith.constant 0 : index
    %get3A_207 = vector.load %arg9[%get3A_204, %get3A_205, %get3A_206] : memref<3x1x128xf32, #tpu.memory_space<vmem>>, vector<1x1x128xf32>
    %get3A_208 = vector.shape_cast %get3A_207 : vector<1x1x128xf32> to vector<1x128xf32>
    %reduce_max3A_209 = arith.constant dense<0xFF800000> : vector<1xf32>
    %reduce_max3A_210 = vector.multi_reduction <maximumf>, %get3A_208, %reduce_max3A_209 [1] : vector<1x128xf32> to vector<1xf32>
    %broadcast_in_dim3A_211 = vector.shape_cast %reduce_max3A_210 : vector<1xf32> to vector<1x1xf32>
    %get3A_212 = arith.constant 0 : index
    %get3A_213 = arith.constant 0 : index
    %get3A_214 = arith.constant 0 : index
    %get3A_215 = vector.load %arg8[%get3A_212, %get3A_213, %get3A_214] : memref<3x1x128xf32, #tpu.memory_space<vmem>>, vector<1x1x128xf32>
    %get3A_216 = vector.shape_cast %get3A_215 : vector<1x1x128xf32> to vector<1x128xf32>
    %mul3A_217 = arith.mulf %max3A_203, %get3A_216 : vector<1x128xf32>
    %reduce_sum3A_218 = arith.constant dense<0.000000e+00> : vector<1xf32>
    %reduce_sum3A_219 = vector.multi_reduction <add>, %mul3A_217, %reduce_sum3A_218 [1] : vector<1x128xf32> to vector<1xf32>
    %broadcast_in_dim3A_220 = vector.shape_cast %reduce_sum3A_219 : vector<1xf32> to vector<1x1xf32>
    %add3A_221 = arith.addf %broadcast_in_dim3A_220, %broadcast_in_dim3A_211 : vector<1x1xf32>
    %get3A_222 = arith.constant 1 : index
    %get3A_223 = arith.constant 0 : index
    %get3A_224 = arith.constant 0 : index
    %get3A_225 = vector.load %arg7[%get3A_222, %get3A_223, %get3A_224] : memref<3x1x128xf32, #tpu.memory_space<vmem>>, vector<1x1x128xf32>
    %get3A_226 = vector.shape_cast %get3A_225 : vector<1x1x128xf32> to vector<1x128xf32>
    %max3A_227 = arith.constant 0.000000e+00 : f32
    %max3A_228 = vector.broadcast %max3A_227 : f32 to vector<1x128xf32>
    %max3A_229 = arith.maximumf %get3A_226, %max3A_228 : vector<1x128xf32>
    %get3A_230 = arith.constant 1 : index
    %get3A_231 = arith.constant 0 : index
    %get3A_232 = arith.constant 0 : index
    %get3A_233 = vector.load %arg9[%get3A_230, %get3A_231, %get3A_232] : memref<3x1x128xf32, #tpu.memory_space<vmem>>, vector<1x1x128xf32>
    %get3A_234 = vector.shape_cast %get3A_233 : vector<1x1x128xf32> to vector<1x128xf32>
    %reduce_max3A_235 = arith.constant dense<0xFF800000> : vector<1xf32>
    %reduce_max3A_236 = vector.multi_reduction <maximumf>, %get3A_234, %reduce_max3A_235 [1] : vector<1x128xf32> to vector<1xf32>
    %broadcast_in_dim3A_237 = vector.shape_cast %reduce_max3A_236 : vector<1xf32> to vector<1x1xf32>
    %get3A_238 = arith.constant 1 : index
    %get3A_239 = arith.constant 0 : index
    %get3A_240 = arith.constant 0 : index
    %get3A_241 = vector.load %arg8[%get3A_238, %get3A_239, %get3A_240] : memref<3x1x128xf32, #tpu.memory_space<vmem>>, vector<1x1x128xf32>
    %get3A_242 = vector.shape_cast %get3A_241 : vector<1x1x128xf32> to vector<1x128xf32>
    %mul3A_243 = arith.mulf %max3A_229, %get3A_242 : vector<1x128xf32>
    %reduce_sum3A_244 = arith.constant dense<0.000000e+00> : vector<1xf32>
    %reduce_sum3A_245 = vector.multi_reduction <add>, %mul3A_243, %reduce_sum3A_244 [1] : vector<1x128xf32> to vector<1xf32>
    %broadcast_in_dim3A_246 = vector.shape_cast %reduce_sum3A_245 : vector<1xf32> to vector<1x1xf32>
    %add3A_247 = arith.addf %broadcast_in_dim3A_246, %broadcast_in_dim3A_237 : vector<1x1xf32>
    %get3A_248 = arith.constant 2 : index
    %get3A_249 = arith.constant 0 : index
    %get3A_250 = arith.constant 0 : index
    %get3A_251 = vector.load %arg7[%get3A_248, %get3A_249, %get3A_250] : memref<3x1x128xf32, #tpu.memory_space<vmem>>, vector<1x1x128xf32>
    %get3A_252 = vector.shape_cast %get3A_251 : vector<1x1x128xf32> to vector<1x128xf32>
    %max3A_253 = arith.constant 0.000000e+00 : f32
    %max3A_254 = vector.broadcast %max3A_253 : f32 to vector<1x128xf32>
    %max3A_255 = arith.maximumf %get3A_252, %max3A_254 : vector<1x128xf32>
    %get3A_256 = arith.constant 2 : index
    %get3A_257 = arith.constant 0 : index
    %get3A_258 = arith.constant 0 : index
    %get3A_259 = vector.load %arg9[%get3A_256, %get3A_257, %get3A_258] : memref<3x1x128xf32, #tpu.memory_space<vmem>>, vector<1x1x128xf32>
    %get3A_260 = vector.shape_cast %get3A_259 : vector<1x1x128xf32> to vector<1x128xf32>
    %reduce_max3A_261 = arith.constant dense<0xFF800000> : vector<1xf32>
    %reduce_max3A_262 = vector.multi_reduction <maximumf>, %get3A_260, %reduce_max3A_261 [1] : vector<1x128xf32> to vector<1xf32>
    %broadcast_in_dim3A_263 = vector.shape_cast %reduce_max3A_262 : vector<1xf32> to vector<1x1xf32>
    %get3A_264 = arith.constant 2 : index
    %get3A_265 = arith.constant 0 : index
    %get3A_266 = arith.constant 0 : index
    %get3A_267 = vector.load %arg8[%get3A_264, %get3A_265, %get3A_266] : memref<3x1x128xf32, #tpu.memory_space<vmem>>, vector<1x1x128xf32>
    %get3A_268 = vector.shape_cast %get3A_267 : vector<1x1x128xf32> to vector<1x128xf32>
    %mul3A_269 = arith.mulf %max3A_255, %get3A_268 : vector<1x128xf32>
    %reduce_sum3A_270 = arith.constant dense<0.000000e+00> : vector<1xf32>
    %reduce_sum3A_271 = vector.multi_reduction <add>, %mul3A_269, %reduce_sum3A_270 [1] : vector<1x128xf32> to vector<1xf32>
    %broadcast_in_dim3A_272 = vector.shape_cast %reduce_sum3A_271 : vector<1xf32> to vector<1x1xf32>
    %add3A_273 = arith.addf %broadcast_in_dim3A_272, %broadcast_in_dim3A_263 : vector<1x1xf32>
    %broadcast_in_dim3A_274 = arith.constant 0.000000e+00 : f32
    %broadcast_in_dim3A_275 = vector.broadcast %broadcast_in_dim3A_274 : f32 to vector<13x1xf32>
    %concatenate3A_276 = tpu.concatenate %add3A_91, %add3A_143, %add3A_195, %add3A_221, %add3A_247, %add3A_273, %broadcast_in_dim3A_275 in 0 : vector<80x1xf32>, vector<80x1xf32>, vector<80x1xf32>, vector<1x1xf32>, vector<1x1xf32>, vector<1x1xf32>, vector<13x1xf32> -> vector<256x1xf32>
    %reshape3A = vector.shape_cast %concatenate3A_276 : vector<256x1xf32> to vector<2x128xf32>
    %mul3A_277 = arith.constant 2 : i32
    %mul3A_278 = arith.muli %mul3A_277, %arg0 : i32
    %swap3A = arith.index_cast %mul3A_278 : i32 to index
    %swap3A_279 = arith.constant 0 : index
    %swap3A_280 = vector.load %arg10[%swap3A, %swap3A_279] : memref<128x128xf32, #tpu.memory_space<vmem>>, vector<2x128xf32>
    tpu.vector_store %arg10[%swap3A, %swap3A_279], %reshape3A {strides = array<i32>} : memref<128x128xf32, #tpu.memory_space<vmem>>, vector<2x128xf32>,
    return
  }
  func.func @transform_0(%arg0: i32) -> (i32, i32) {
    %c0_i32 = arith.constant 0 : i32
    %c0_i32_0 = arith.constant 0 : i32
    return %arg0, %c0_i32 : i32, i32
  }
  func.func @transform_1(%arg0: i32) -> (i32, i32, i32) {
    %c0_i32 = arith.constant 0 : i32
    %c0_i32_0 = arith.constant 0 : i32
    %c0_i32_1 = arith.constant 0 : i32
    return %arg0, %c0_i32, %c0_i32_0 : i32, i32, i32
  }
  func.func @transform_2(%arg0: i32) -> (i32, i32, i32) {
    %c0_i32 = arith.constant 0 : i32
    %c0_i32_0 = arith.constant 0 : i32
    %c0_i32_1 = arith.constant 0 : i32
    return %arg0, %c0_i32, %c0_i32_0 : i32, i32, i32
  }
  func.func @transform_3(%arg0: i32) -> (i32, i32, i32) {
    %c0_i32 = arith.constant 0 : i32
    %c0_i32_0 = arith.constant 0 : i32
    %c0_i32_1 = arith.constant 0 : i32
    return %arg0, %c0_i32, %c0_i32_0 : i32, i32, i32
  }
  func.func @transform_4(%arg0: i32) -> (i32, i32, i32) {
    %c0_i32 = arith.constant 0 : i32
    %c0_i32_0 = arith.constant 0 : i32
    %c0_i32_1 = arith.constant 0 : i32
    return %arg0, %c0_i32, %c0_i32_0 : i32, i32, i32
  }
  func.func @transform_5(%arg0: i32) -> (i32, i32, i32) {
    %c0_i32 = arith.constant 0 : i32
    %c0_i32_0 = arith.constant 0 : i32
    %c0_i32_1 = arith.constant 0 : i32
    %c0_i32_2 = arith.constant 0 : i32
    return %c0_i32, %c0_i32_0, %c0_i32_1 : i32, i32, i32
  }
  func.func @transform_6(%arg0: i32) -> (i32, i32, i32) {
    %c0_i32 = arith.constant 0 : i32
    %c0_i32_0 = arith.constant 0 : i32
    %c0_i32_1 = arith.constant 0 : i32
    %c0_i32_2 = arith.constant 0 : i32
    return %c0_i32, %c0_i32_0, %c0_i32_1 : i32, i32, i32
  }
  func.func @transform_7(%arg0: i32) -> (i32, i32, i32) {
    %c0_i32 = arith.constant 0 : i32
    %c0_i32_0 = arith.constant 0 : i32
    %c0_i32_1 = arith.constant 0 : i32
    %c0_i32_2 = arith.constant 0 : i32
    return %c0_i32, %c0_i32_0, %c0_i32_1 : i32, i32, i32
  }
  func.func @transform_8(%arg0: i32) -> (i32, i32, i32) {
    %c0_i32 = arith.constant 0 : i32
    %c0_i32_0 = arith.constant 0 : i32
    %c0_i32_1 = arith.constant 0 : i32
    %c0_i32_2 = arith.constant 0 : i32
    return %c0_i32, %c0_i32_0, %c0_i32_1 : i32, i32, i32
  }
  func.func @transform_9(%arg0: i32) -> (i32, i32) {
    %c0_i32 = arith.constant 0 : i32
    %c0_i32_0 = arith.constant 0 : i32
    %c0_i32_1 = arith.constant 0 : i32
    return %c0_i32, %c0_i32_0 : i32, i32
  }
}

module attributes {stable_mosaic.version = 14 : i64} {
  func.func @_combine_body(%arg0: i32, %arg1: memref<1024x128xi32, #tpu.memory_space<vmem>>, %arg2: memref<128x128xf32, #tpu.memory_space<vmem>>, %arg3: memref<1024x128xf32, #tpu.memory_space<vmem>>) attributes {dimension_semantics = [#tpu.dimension_semantics<arbitrary>], iteration_bounds = array<i64: 4>, scalar_prefetch = 0 : i64, scratch_operands = 0 : i64, tpu.core_type = #tpu.core_type<tc>, window_params = [{transform_indices = @transform_0, window_bounds = array<i64: 1024, 128>}, {pipeline_mode = #tpu.pipeline_mode<synchronous>, transform_indices = @transform_1, window_bounds = array<i64: 128, 128>}, {transform_indices = @transform_2, window_bounds = array<i64: 1024, 128>}]} {
    %get3A = arith.constant 0 : index
    %get3A_0 = arith.constant 0 : index
    %get3A_1 = vector.load %arg2[%get3A, %get3A_0] : memref<128x128xf32, #tpu.memory_space<vmem>>, vector<128x128xf32>
    %iota3A = tpu.iota {dimensions = array<i32: 1>} : vector<1x128xi32>
    %get3A_2 = arith.constant 0 : index
    %get3A_3 = arith.constant 0 : index
    %get3A_4 = vector.load %arg1[%get3A_2, %get3A_3] : memref<1024x128xi32, #tpu.memory_space<vmem>>, vector<1024x1xi32>
    %jit3A = arith.constant 128 : i32
    %div3A = vector.broadcast %jit3A : i32 to vector<1024x1xi32>
    %div3A_5 = arith.divsi %get3A_4, %div3A : vector<1024x1xi32>
    %sign3A = arith.constant 0 : i32
    %sign3A_6 = vector.broadcast %sign3A : i32 to vector<1024x1xi32>
    %sign3A_7 = arith.cmpi sgt, %get3A_4, %sign3A_6 : vector<1024x1xi32>
    %sign3A_8 = arith.extui %sign3A_7 : vector<1024x1xi1> to vector<1024x1xi32>
    %sign3A_9 = arith.constant 0 : i32
    %sign3A_10 = vector.broadcast %sign3A_9 : i32 to vector<1024x1xi32>
    %sign3A_11 = arith.cmpi slt, %get3A_4, %sign3A_10 : vector<1024x1xi32>
    %sign3A_12 = arith.extui %sign3A_11 : vector<1024x1xi1> to vector<1024x1xi32>
    %sign3A_13 = arith.subi %sign3A_8, %sign3A_12 : vector<1024x1xi32>
    %sign3A_14 = arith.constant 0 : i32
    %sign3A_15 = arith.cmpi sgt, %jit3A, %sign3A_14 : i32
    %sign3A_16 = arith.extui %sign3A_15 : i1 to i32
    %sign3A_17 = arith.constant 0 : i32
    %sign3A_18 = arith.cmpi slt, %jit3A, %sign3A_17 : i32
    %sign3A_19 = arith.extui %sign3A_18 : i1 to i32
    %sign3A_20 = arith.subi %sign3A_16, %sign3A_19 : i32
    %ne3A = vector.broadcast %sign3A_20 : i32 to vector<1024x1xi32>
    %ne3A_21 = arith.cmpi ne, %sign3A_13, %ne3A : vector<1024x1xi32>
    %rem3A = vector.broadcast %jit3A : i32 to vector<1024x1xi32>
    %rem3A_22 = arith.remsi %get3A_4, %rem3A : vector<1024x1xi32>
    %ne3A_23 = arith.constant 0 : i32
    %ne3A_24 = vector.broadcast %ne3A_23 : i32 to vector<1024x1xi32>
    %ne3A_25 = arith.cmpi ne, %rem3A_22, %ne3A_24 : vector<1024x1xi32>
    %and3A = arith.andi %ne3A_21, %ne3A_25 : vector<1024x1xi1>
    %sub3A = arith.constant 1 : i32
    %sub3A_26 = vector.broadcast %sub3A : i32 to vector<1024x1xi32>
    %sub3A_27 = arith.subi %div3A_5, %sub3A_26 : vector<1024x1xi32>
    %select_n3A = arith.select %and3A, %sub3A_27, %div3A_5 : vector<1024x1xi1>, vector<1024x1xi32>
    %mul3A = arith.constant 128 : i32
    %mul3A_28 = vector.broadcast %mul3A : i32 to vector<1024x1xi32>
    %mul3A_29 = arith.muli %select_n3A, %mul3A_28 : vector<1024x1xi32>
    %sub3A_30 = arith.subi %get3A_4, %mul3A_29 : vector<1024x1xi32>
    %eq3A = vector.broadcast %select_n3A : vector<1024x1xi32> to vector<1024x128xi32>
    %eq3A_31 = vector.broadcast %iota3A : vector<1x128xi32> to vector<1024x128xi32>
    %eq3A_32 = arith.cmpi eq, %eq3A, %eq3A_31 : vector<1024x128xi32>
    %convert_element_type3A = arith.extui %eq3A_32 : vector<1024x128xi1> to vector<1024x128xi32>
    %convert_element_type3A_33 = arith.sitofp %convert_element_type3A : vector<1024x128xi32> to vector<1024x128xf32>
    %dot_general3A = arith.constant dense<0.000000e+00> : vector<1024x128xf32>
    %dot_general3A_34 = tpu.matmul %convert_element_type3A_33, %get3A_1, %dot_general3A {dimension_numbers = #tpu.dot_dimension_numbers<[1], [0], [0], [1], [0, 0, 1, 1], [], []>, precision = #tpu.contract_precision<fp32>, transpose_lhs_hint = false} : vector<1024x128xf32>, vector<128x128xf32>, vector<1024x128xf32> -> vector<1024x128xf32>
    %eq3A_35 = vector.broadcast %sub3A_30 : vector<1024x1xi32> to vector<1024x128xi32>
    %eq3A_36 = vector.broadcast %iota3A : vector<1x128xi32> to vector<1024x128xi32>
    %eq3A_37 = arith.cmpi eq, %eq3A_35, %eq3A_36 : vector<1024x128xi32>
    %convert_element_type3A_38 = arith.extui %eq3A_37 : vector<1024x128xi1> to vector<1024x128xi32>
    %convert_element_type3A_39 = arith.sitofp %convert_element_type3A_38 : vector<1024x128xi32> to vector<1024x128xf32>
    %mul3A_40 = arith.mulf %dot_general3A_34, %convert_element_type3A_39 : vector<1024x128xf32>
    %reduce_sum3A = arith.constant dense<0.000000e+00> : vector<1024xf32>
    %reduce_sum3A_41 = vector.multi_reduction <add>, %mul3A_40, %reduce_sum3A [1] : vector<1024x128xf32> to vector<1024xf32>
    %broadcast_in_dim3A = vector.shape_cast %reduce_sum3A_41 : vector<1024xf32> to vector<1024x1xf32>
    %get3A_42 = arith.constant 0 : index
    %get3A_43 = arith.constant 1 : index
    %get3A_44 = vector.load %arg1[%get3A_42, %get3A_43] : memref<1024x128xi32, #tpu.memory_space<vmem>>, vector<1024x1xi32>
    %jit3A_45 = arith.constant 128 : i32
    %div3A_46 = vector.broadcast %jit3A_45 : i32 to vector<1024x1xi32>
    %div3A_47 = arith.divsi %get3A_44, %div3A_46 : vector<1024x1xi32>
    %sign3A_48 = arith.constant 0 : i32
    %sign3A_49 = vector.broadcast %sign3A_48 : i32 to vector<1024x1xi32>
    %sign3A_50 = arith.cmpi sgt, %get3A_44, %sign3A_49 : vector<1024x1xi32>
    %sign3A_51 = arith.extui %sign3A_50 : vector<1024x1xi1> to vector<1024x1xi32>
    %sign3A_52 = arith.constant 0 : i32
    %sign3A_53 = vector.broadcast %sign3A_52 : i32 to vector<1024x1xi32>
    %sign3A_54 = arith.cmpi slt, %get3A_44, %sign3A_53 : vector<1024x1xi32>
    %sign3A_55 = arith.extui %sign3A_54 : vector<1024x1xi1> to vector<1024x1xi32>
    %sign3A_56 = arith.subi %sign3A_51, %sign3A_55 : vector<1024x1xi32>
    %sign3A_57 = arith.constant 0 : i32
    %sign3A_58 = arith.cmpi sgt, %jit3A_45, %sign3A_57 : i32
    %sign3A_59 = arith.extui %sign3A_58 : i1 to i32
    %sign3A_60 = arith.constant 0 : i32
    %sign3A_61 = arith.cmpi slt, %jit3A_45, %sign3A_60 : i32
    %sign3A_62 = arith.extui %sign3A_61 : i1 to i32
    %sign3A_63 = arith.subi %sign3A_59, %sign3A_62 : i32
    %ne3A_64 = vector.broadcast %sign3A_63 : i32 to vector<1024x1xi32>
    %ne3A_65 = arith.cmpi ne, %sign3A_56, %ne3A_64 : vector<1024x1xi32>
    %rem3A_66 = vector.broadcast %jit3A_45 : i32 to vector<1024x1xi32>
    %rem3A_67 = arith.remsi %get3A_44, %rem3A_66 : vector<1024x1xi32>
    %ne3A_68 = arith.constant 0 : i32
    %ne3A_69 = vector.broadcast %ne3A_68 : i32 to vector<1024x1xi32>
    %ne3A_70 = arith.cmpi ne, %rem3A_67, %ne3A_69 : vector<1024x1xi32>
    %and3A_71 = arith.andi %ne3A_65, %ne3A_70 : vector<1024x1xi1>
    %sub3A_72 = arith.constant 1 : i32
    %sub3A_73 = vector.broadcast %sub3A_72 : i32 to vector<1024x1xi32>
    %sub3A_74 = arith.subi %div3A_47, %sub3A_73 : vector<1024x1xi32>
    %select_n3A_75 = arith.select %and3A_71, %sub3A_74, %div3A_47 : vector<1024x1xi1>, vector<1024x1xi32>
    %mul3A_76 = arith.constant 128 : i32
    %mul3A_77 = vector.broadcast %mul3A_76 : i32 to vector<1024x1xi32>
    %mul3A_78 = arith.muli %select_n3A_75, %mul3A_77 : vector<1024x1xi32>
    %sub3A_79 = arith.subi %get3A_44, %mul3A_78 : vector<1024x1xi32>
    %eq3A_80 = vector.broadcast %select_n3A_75 : vector<1024x1xi32> to vector<1024x128xi32>
    %eq3A_81 = vector.broadcast %iota3A : vector<1x128xi32> to vector<1024x128xi32>
    %eq3A_82 = arith.cmpi eq, %eq3A_80, %eq3A_81 : vector<1024x128xi32>
    %convert_element_type3A_83 = arith.extui %eq3A_82 : vector<1024x128xi1> to vector<1024x128xi32>
    %convert_element_type3A_84 = arith.sitofp %convert_element_type3A_83 : vector<1024x128xi32> to vector<1024x128xf32>
    %dot_general3A_85 = arith.constant dense<0.000000e+00> : vector<1024x128xf32>
    %dot_general3A_86 = tpu.matmul %convert_element_type3A_84, %get3A_1, %dot_general3A_85 {dimension_numbers = #tpu.dot_dimension_numbers<[1], [0], [0], [1], [0, 0, 1, 1], [], []>, precision = #tpu.contract_precision<fp32>, transpose_lhs_hint = false} : vector<1024x128xf32>, vector<128x128xf32>, vector<1024x128xf32> -> vector<1024x128xf32>
    %eq3A_87 = vector.broadcast %sub3A_79 : vector<1024x1xi32> to vector<1024x128xi32>
    %eq3A_88 = vector.broadcast %iota3A : vector<1x128xi32> to vector<1024x128xi32>
    %eq3A_89 = arith.cmpi eq, %eq3A_87, %eq3A_88 : vector<1024x128xi32>
    %convert_element_type3A_90 = arith.extui %eq3A_89 : vector<1024x128xi1> to vector<1024x128xi32>
    %convert_element_type3A_91 = arith.sitofp %convert_element_type3A_90 : vector<1024x128xi32> to vector<1024x128xf32>
    %mul3A_92 = arith.mulf %dot_general3A_86, %convert_element_type3A_91 : vector<1024x128xf32>
    %reduce_sum3A_93 = arith.constant dense<0.000000e+00> : vector<1024xf32>
    %reduce_sum3A_94 = vector.multi_reduction <add>, %mul3A_92, %reduce_sum3A_93 [1] : vector<1024x128xf32> to vector<1024xf32>
    %broadcast_in_dim3A_95 = vector.shape_cast %reduce_sum3A_94 : vector<1024xf32> to vector<1024x1xf32>
    %get3A_96 = arith.constant 0 : index
    %get3A_97 = arith.constant 2 : index
    %get3A_98 = vector.load %arg1[%get3A_96, %get3A_97] : memref<1024x128xi32, #tpu.memory_space<vmem>>, vector<1024x1xi32>
    %jit3A_99 = arith.constant 128 : i32
    %div3A_100 = vector.broadcast %jit3A_99 : i32 to vector<1024x1xi32>
    %div3A_101 = arith.divsi %get3A_98, %div3A_100 : vector<1024x1xi32>
    %sign3A_102 = arith.constant 0 : i32
    %sign3A_103 = vector.broadcast %sign3A_102 : i32 to vector<1024x1xi32>
    %sign3A_104 = arith.cmpi sgt, %get3A_98, %sign3A_103 : vector<1024x1xi32>
    %sign3A_105 = arith.extui %sign3A_104 : vector<1024x1xi1> to vector<1024x1xi32>
    %sign3A_106 = arith.constant 0 : i32
    %sign3A_107 = vector.broadcast %sign3A_106 : i32 to vector<1024x1xi32>
    %sign3A_108 = arith.cmpi slt, %get3A_98, %sign3A_107 : vector<1024x1xi32>
    %sign3A_109 = arith.extui %sign3A_108 : vector<1024x1xi1> to vector<1024x1xi32>
    %sign3A_110 = arith.subi %sign3A_105, %sign3A_109 : vector<1024x1xi32>
    %sign3A_111 = arith.constant 0 : i32
    %sign3A_112 = arith.cmpi sgt, %jit3A_99, %sign3A_111 : i32
    %sign3A_113 = arith.extui %sign3A_112 : i1 to i32
    %sign3A_114 = arith.constant 0 : i32
    %sign3A_115 = arith.cmpi slt, %jit3A_99, %sign3A_114 : i32
    %sign3A_116 = arith.extui %sign3A_115 : i1 to i32
    %sign3A_117 = arith.subi %sign3A_113, %sign3A_116 : i32
    %ne3A_118 = vector.broadcast %sign3A_117 : i32 to vector<1024x1xi32>
    %ne3A_119 = arith.cmpi ne, %sign3A_110, %ne3A_118 : vector<1024x1xi32>
    %rem3A_120 = vector.broadcast %jit3A_99 : i32 to vector<1024x1xi32>
    %rem3A_121 = arith.remsi %get3A_98, %rem3A_120 : vector<1024x1xi32>
    %ne3A_122 = arith.constant 0 : i32
    %ne3A_123 = vector.broadcast %ne3A_122 : i32 to vector<1024x1xi32>
    %ne3A_124 = arith.cmpi ne, %rem3A_121, %ne3A_123 : vector<1024x1xi32>
    %and3A_125 = arith.andi %ne3A_119, %ne3A_124 : vector<1024x1xi1>
    %sub3A_126 = arith.constant 1 : i32
    %sub3A_127 = vector.broadcast %sub3A_126 : i32 to vector<1024x1xi32>
    %sub3A_128 = arith.subi %div3A_101, %sub3A_127 : vector<1024x1xi32>
    %select_n3A_129 = arith.select %and3A_125, %sub3A_128, %div3A_101 : vector<1024x1xi1>, vector<1024x1xi32>
    %mul3A_130 = arith.constant 128 : i32
    %mul3A_131 = vector.broadcast %mul3A_130 : i32 to vector<1024x1xi32>
    %mul3A_132 = arith.muli %select_n3A_129, %mul3A_131 : vector<1024x1xi32>
    %sub3A_133 = arith.subi %get3A_98, %mul3A_132 : vector<1024x1xi32>
    %eq3A_134 = vector.broadcast %select_n3A_129 : vector<1024x1xi32> to vector<1024x128xi32>
    %eq3A_135 = vector.broadcast %iota3A : vector<1x128xi32> to vector<1024x128xi32>
    %eq3A_136 = arith.cmpi eq, %eq3A_134, %eq3A_135 : vector<1024x128xi32>
    %convert_element_type3A_137 = arith.extui %eq3A_136 : vector<1024x128xi1> to vector<1024x128xi32>
    %convert_element_type3A_138 = arith.sitofp %convert_element_type3A_137 : vector<1024x128xi32> to vector<1024x128xf32>
    %dot_general3A_139 = arith.constant dense<0.000000e+00> : vector<1024x128xf32>
    %dot_general3A_140 = tpu.matmul %convert_element_type3A_138, %get3A_1, %dot_general3A_139 {dimension_numbers = #tpu.dot_dimension_numbers<[1], [0], [0], [1], [0, 0, 1, 1], [], []>, precision = #tpu.contract_precision<fp32>, transpose_lhs_hint = false} : vector<1024x128xf32>, vector<128x128xf32>, vector<1024x128xf32> -> vector<1024x128xf32>
    %eq3A_141 = vector.broadcast %sub3A_133 : vector<1024x1xi32> to vector<1024x128xi32>
    %eq3A_142 = vector.broadcast %iota3A : vector<1x128xi32> to vector<1024x128xi32>
    %eq3A_143 = arith.cmpi eq, %eq3A_141, %eq3A_142 : vector<1024x128xi32>
    %convert_element_type3A_144 = arith.extui %eq3A_143 : vector<1024x128xi1> to vector<1024x128xi32>
    %convert_element_type3A_145 = arith.sitofp %convert_element_type3A_144 : vector<1024x128xi32> to vector<1024x128xf32>
    %mul3A_146 = arith.mulf %dot_general3A_140, %convert_element_type3A_145 : vector<1024x128xf32>
    %reduce_sum3A_147 = arith.constant dense<0.000000e+00> : vector<1024xf32>
    %reduce_sum3A_148 = vector.multi_reduction <add>, %mul3A_146, %reduce_sum3A_147 [1] : vector<1024x128xf32> to vector<1024xf32>
    %broadcast_in_dim3A_149 = vector.shape_cast %reduce_sum3A_148 : vector<1024xf32> to vector<1024x1xf32>
    %broadcast_in_dim3A_150 = arith.constant 0.000000e+00 : f32
    %broadcast_in_dim3A_151 = vector.broadcast %broadcast_in_dim3A_150 : f32 to vector<1024x125xf32>
    %concatenate3A = tpu.concatenate %broadcast_in_dim3A, %broadcast_in_dim3A_95, %broadcast_in_dim3A_149, %broadcast_in_dim3A_151 in 1 : vector<1024x1xf32>, vector<1024x1xf32>, vector<1024x1xf32>, vector<1024x125xf32> -> vector<1024x128xf32>
    %swap3A = arith.constant 0 : index
    %swap3A_152 = arith.constant 0 : index
    %swap3A_153 = vector.load %arg3[%swap3A, %swap3A_152] : memref<1024x128xf32, #tpu.memory_space<vmem>>, vector<1024x128xf32>
    tpu.vector_store %arg3[%swap3A, %swap3A_152], %concatenate3A {strides = array<i32>} : memref<1024x128xf32, #tpu.memory_space<vmem>>, vector<1024x128xf32>,
    return
  }
  func.func @transform_0(%arg0: i32) -> (i32, i32) {
    %c0_i32 = arith.constant 0 : i32
    %c0_i32_0 = arith.constant 0 : i32
    return %arg0, %c0_i32 : i32, i32
  }
  func.func @transform_1(%arg0: i32) -> (i32, i32) {
    %c0_i32 = arith.constant 0 : i32
    %c0_i32_0 = arith.constant 0 : i32
    %c0_i32_1 = arith.constant 0 : i32
    return %c0_i32, %c0_i32_0 : i32, i32
  }
  func.func @transform_2(%arg0: i32) -> (i32, i32) {
    %c0_i32 = arith.constant 0 : i32
    %c0_i32_0 = arith.constant 0 : i32
    return %arg0, %c0_i32 : i32, i32
  }
}

</mosaic_0001>

<sc_bundles>
// kernel: kernel.6.cloned.1.call-start
scs
__scs_entry_jumppad:
0x0: {  	(pc) =	sbr.rel $0x88, $3  }
0x1: {  	(tag) =	ssettag $0x0;
	lr =	simm.s32 $0x1  }
0x2: {  	[smem:$0x3F93] =	sst lr;
	_ =	strace $0xD0000000  }
0x3: {  	_ = 	snop  }
0x4: {  	_ = 	snop  }
0x5: {  	_ = 	snop  }
0x6: {  	_ = 	snop  }
0x7: {  	_ = 	snop  }
__scs_overlays_trampoline_lowered:
0x8: {  	[smem:$0x3FA2] =	sst s0  }
0x9: {  	[smem:$0x3FA3] =	sst s1  }
0xa: {  	[smem:$0x3FA4] =	sst s2  }
0xb: {  	[smem:$0x3FA5] =	sst s3  }
0xc: {  	[smem:$0x3FA6] =	sst s4  }
0xd: {  	[smem:$0x3FA7] =	sst s5  }
0xe: {  	[smem:$0x3FA8] =	sst s6  }
0xf: {  	[smem:$0x3FA9] =	sst s7  }
0x10: {  	[smem:$0x3FAA] =	sst s8  }
0x11: {  	[smem:$0x3FAB] =	sst s9;
	s0 =	simm.s32 @!p0 $0x0  }
0x12: {  	s1 =	sld [smem:$0x3F91];
	s0 =	simm.s32 @p0 $0x1  }
0x13: {  	[smem:$0x3FAC] =	sst s0;
	s0 =	simm.s32 @!p1 $0x0  }
0x14: {  	s2 =	sld [smem:$0x3F90];
	s0 =	simm.s32 @p1 $0x1  }
0x15: {  	[smem:$0x3FAD] =	sst s0;
	s0 =	simm.s32 @!p2 $0x0  }
0x16: {  	s3 =	sld [smem:$0x3FDB];
	s0 =	simm.s32 @p2 $0x1  }
0x17: {  	s4 =	simm.s32 $0x1BF5;
	[smem:$0x3FAF] =	sst s0  }
0x18: {  	s0 =	sld [smem:$0x3F92];
	_ =	swait.ge [sflag:s4], $0x0  }
0x19: {  	s7 =	sld [smem:$0x3F93]  }
0x1a: {  	s8 =	sadd.s32 $0xFFFFE003, lr  }
0x1b: {  	s9 =	sadd.s32 $0xFFFFFEF7, lr;
	s5 =	simm.s32 $0xFFFFFFFF;
	p2 =	slt.u32 s8, $0xFFFFF086  }
0x1c: {  	p1 =	slt.u32 s9, $0xF7A;
	s5 =	simm.s32 @!p2 $0x0  }
0x1d: {  	s5 =	simm.s32 @p1 $0x1;
	p0 =	seq.s32 s7, s2  }
0x1e: {  	s7 =	smul.u32 @!p0 $0xF7A, s2;
	p2 =	seq.s32 @!p0 s5, $0x0  }
0x1f: {  	s9 =	smul.u32 $0xF7A, s1;
	s8 =	simm.s32 @!p0 $0x1BF5;
	p2 =	por !p2, p0  }
0x20: {  	[sflag:s8] =	ssyncset.s32 @!p0 $0xFFFFF086;
	s6 =	sadd.s32 @!p0 s3, s7;
	s7 =	simm.s32 @!p0 $0x108  }
0x21: {  	s3 =	sadd.s32 s3, s9;
	s6 =	sadd.s32 @!p0 $0x88, s6;
	s7 =	simm.s32 @p2 $0x1082  }
0x22: {  	[simem:s7], [sflag:s8] =	dma.local @!p0 [hbm:s6], $0xF7A  }
0x23: {  	s9 =	sor.u32 $0xD0000000, s2;
	s6 =	simm.s32 $0x108;
	_ =	swait.ge @!p0 [sflag:s8], $0x0  }
0x24: {  	s3 =	sadd.s32 $0x88, s3;
	s6 =	simm.s32 @!p1 $0x1082;
	[sflag:s4] =	ssyncset.s32 $0xFFFFF086  }
0x25: {  	[simem:s6], [sflag:s4] =	dma.local [hbm:s3], $0xF7A  }
0x26: {  	[smem:$0x3F93] =	sst s1;
	(tag) =	ssettag s2;
	_ =	strace s9  }
0x27: {  	s1 =	sld [smem:$0x3FA3]  }
0x28: {  	s2 =	sld [smem:$0x3FA4]  }
0x29: {  	s4 =	sld [smem:$0x3FA6]  }
0x2a: {  	p0 =	seq.s32 s5, $0x0;
	s5 =	sld [smem:$0x3FA7]  }
0x2b: {  	s6 =	sld [smem:$0x3FA8]  }
0x2c: {  	s7 =	sld [smem:$0x3FA9]  }
0x2d: {  	s3 =	simm.s32 $0x108;
	s8 =	sld [smem:$0x3FAA]  }
0x2e: {  	s3 =	simm.s32 @!p0 $0x1082;
	s9 =	sld [smem:$0x3FAB]  }
0x2f: {  	lr =	sadd.s32 s0, s3;
	s0 =	sld [smem:$0x3FA2]  }
0x30: {  	s3 =	sld [smem:$0x3FA5]  }
0x31: {  	[smem:$0x3FAE] =	sst s10  }
0x32: {  	s10 =	sld [smem:$0x3FAC];
	_ =	sdelay $0x3  }
0x33: {  	p0 =	seq.s32 s10, $0x1;
	s10 =	sld [smem:$0x3FAE];
	_ =	sdelay $0x3  }
0x34: {  	[smem:$0x3FAE] =	sst s10  }
0x35: {  	s10 =	sld [smem:$0x3FAD];
	_ =	sdelay $0x3  }
0x36: {  	p1 =	seq.s32 s10, $0x1;
	s10 =	sld [smem:$0x3FAE];
	_ =	sdelay $0x3  }
0x37: {  	[smem:$0x3FAE] =	sst s10  }
0x38: {  	s10 =	sld [smem:$0x3FAF]  }
0x39: {  	_ = 	snop;
	(pc) =	sbr.ind lr, $3  }
0x3a: {  	_ = 	snop  }
0x3b: {  	_ = 	snop  }
0x3c: {  	p2 =	seq.s32 s10, $0x1;
	s10 =	sld [smem:$0x3FAE]  }
0x3d: {  	_ =	shalt  }
0x3e: {  	_ =	shalt  }
0x3f: {  	_ =	shalt  }
0x40: {  	_ =	shalt  }
0x41: {  	_ =	shalt  }
0x42: {  	_ =	shalt  }
0x43: {  	_ =	shalt  }
0x44: {  	_ =	shalt  }
0x45: {  	_ =	shalt  }
0x46: {  	_ =	shalt  }
0x47: {  	_ =	shalt  }
0x48: {  	_ =	shalt  }
0x49: {  	_ =	shalt  }
0x4a: {  	_ =	shalt  }
0x4b: {  	_ =	shalt  }
0x4c: {  	_ =	shalt  }
0x4d: {  	_ =	shalt  }
0x4e: {  	_ =	shalt  }
0x4f: {  	_ =	shalt  }
0x50: {  	_ =	shalt  }
0x51: {  	_ =	shalt  }
0x52: {  	_ =	shalt  }
0x53: {  	_ =	shalt  }
0x54: {  	_ =	shalt  }
0x55: {  	_ =	shalt  }
0x56: {  	_ =	shalt  }
0x57: {  	_ =	shalt  }
0x58: {  	_ =	shalt  }
0x59: {  	_ =	shalt  }
0x5a: {  	_ =	shalt  }
0x5b: {  	_ =	shalt  }
0x5c: {  	_ =	shalt  }
0x5d: {  	_ =	shalt  }
0x5e: {  	_ =	shalt  }
0x5f: {  	_ =	shalt  }
0x60: {  	_ =	shalt  }
0x61: {  	_ =	shalt  }
0x62: {  	_ =	shalt  }
0x63: {  	_ =	shalt  }
0x64: {  	_ =	shalt  }
0x65: {  	_ =	shalt  }
0x66: {  	_ =	shalt  }
0x67: {  	_ =	shalt  }
0x68: {  	_ =	shalt  }
0x69: {  	_ =	shalt  }
0x6a: {  	_ =	shalt  }
0x6b: {  	_ =	shalt  }
0x6c: {  	_ =	shalt  }
0x6d: {  	_ =	shalt  }
0x6e: {  	_ =	shalt  }
0x6f: {  	_ =	shalt  }
0x70: {  	_ =	shalt  }
0x71: {  	_ =	shalt  }
0x72: {  	_ =	shalt  }
0x73: {  	_ =	shalt  }
0x74: {  	_ =	shalt  }
0x75: {  	_ =	shalt  }
0x76: {  	_ =	shalt  }
0x77: {  	_ =	shalt  }
0x78: {  	_ =	shalt  }
0x79: {  	_ =	shalt  }
0x7a: {  	_ =	shalt  }
0x7b: {  	_ =	shalt  }
0x7c: {  	_ =	shalt  }
0x7d: {  	_ =	shalt  }
0x7e: {  	_ =	shalt  }
0x7f: {  	_ =	shalt  }
0x80: {  	_ =	shalt  }
0x81: {  	_ =	shalt  }
0x82: {  	_ =	shalt  }
0x83: {  	_ =	shalt  }
0x84: {  	_ =	shalt  }
0x85: {  	_ =	shalt  }
0x86: {  	_ =	shalt  }
0x87: {  	_ =	shalt  }
.Lfunc_end0:
.L_simem_size_0:
called_computation_lowered:
.L_overlay_start_0:
0x88: {  	s2 =	sld [smem:$0x3FD9]  }
0x89: {  	s3 =	sld [smem:$0x3FFE];
	_ =	sdelay $0x1  }
0x8a: {  	s1 =	srdreg.scid  }
0x8b: {  	s0 =	sand.u32 $0x1, s1  }
0x8c: {  	s14 =	sshll.u32 s0, $0xA;
	s2 =	sadd.s32 s3, s2  }
0x8d: {  	s2 =	sadd.s32 s2, s14  }
0x8e: {  	[smem:$0x3FBA] =	sst s2  }
0x8f: {  	_ = 	snop  }
0x90: {  	s2 =	sld [smem:$0x3FD0];
	_ =	sdelay $0x2  }
0x91: {  	s15 =	simm.s32 $0xA;
	s4 =	simm.s32 $0x10  }
0x92: {  	[smem:s4], [sflag:s15] =	dma.local [hbm:s2], $0x1  }
0x93: {  	_ =	swait.eq [sflag:s15], $0x1  }
0x94: {  	[sflag:s15] =	ssyncset.done $0x0  }
0x95: {  	[sflag:s15] =	ssyncadd.s32 $0xFFFFFFFF  }
0x96: {  	s16 =	sld [smem:$0x10];
	(tm) =	ssettm $0x1  }
0x97: {  	s17 =	sld [smem:$0x3FFB];
	_ =	sdelay $0x3  }
0x98: {  	_ =	strace s17  }
0x99: {  	s3 =	sld [smem:$0x3FFC];
	_ =	sdelay $0x3  }
0x9a: {  	_ =	strace s3  }
0x9b: {  	s3 =	sld [smem:$0x3FFD];
	_ =	sdelay $0x3  }
0x9c: {  	_ =	strace s3  }
0x9d: {  	_ =	strace $0x8FFFFFFF  }
0x9e: {  	s18 =	sld [smem:$0x3FDB];
	_ =	sdelay $0x1  }
0x9f: {  	s19 =	simm.s32 $_scs_section_size  }
0xa0: {  	s5 =	simm.s32 $_size__tile_overlayer_lowered;
	s6 =	simm.s32 $_tile_overlayer_lowered  }
0xa1: {  	s22 =	simm.s32 $0x1BFF;
	s21 =	sshll.u32 s6, $0x1;
	s3 =	sadd.s32 s19, s18  }
0xa2: {  	s7 =	simm.s32 $0x0;
	s20 =	sshll.u32 s5, $0x1;
	s5 =	sadd.s32 s21, s3  }
0xa3: {  	[timem:s7], [sflag:s22] =	dma.local [hbm:s5], s20  }
0xa4: {  	_ =	swait.ge [sflag:s22], s20  }
0xa5: {  	s4 =	ssub.s32 $0x0, s20;
	[sflag:s22] =	ssyncset.done $0x0  }
0xa6: {  	[sflag:s22] =	ssyncadd.s32 s4;
	_ =	sdelay $0x1  }
0xa7: {  	s23 =	simm.s32 $0x1B8B  }
0xa8: {  	_ =	swait.ge [sflag:s23], $0x1  }
0xa9: {  	[sflag:s23] =	ssyncset.done $0x0  }
0xaa: {  	s25 =	simm.s32 $0x1B8E;
	s24 =	sld [smem:$0x3FFE];
	[sflag:s23] =	ssyncadd.s32 $0xFFFFFFFF  }
0xab: {  	s26 =	simm.s32 $execute0_lowered;
	[smem:$0x3FD2] =	sst s25  }
0xac: {  	s5 =	sshll.u32 s26, $0x1;
	_ =	strace $0x80000046;
	[dreg:$0x1] =	wrdreg $0xFFFFFFFF  }
0xad: {  	s28 =	simm.s32 $_size_execute0_lowered;
	s3 =	sadd.s32 s3, s5;
	[dreg:$0x0] =	wrdreg $0x0  }
0xae: {  	s5 =	sshll.u32 s28, $0x1;
	[dreg:$0x2] =	wrdreg s3  }
0xaf: {  	[dreg:$0x3] =	wrdreg s5  }
0xb0: {  	[dreg:$0x4] =	wrdreg $0xC0  }
0xb1: {  	_ =	task [dreg:s7], $0x5FFFF  }
0xb2: {  	[dreg:$0x1] =	wrdreg $0xFFFFFFFF  }
0xb3: {  	[dreg:$0x0] =	wrdreg $0x60  }
0xb4: {  	[dreg:$0x2] =	wrdreg s24  }
0xb5: {  	[dreg:$0x3] =	wrdreg s16  }
0xb6: {  	[dreg:$0x4] =	wrdreg $0x9  }
0xb7: {  	_ =	task.clear_ibuf [dreg:s7], $0x5FFFF;
	_ =	strace $0x90000046  }
0xb8: {  	s29 =	simm.s32 $0x9;
	_ =	strace $0x80000048  }
0xb9: {  	_ =	swait.ge [sflag:s29], $0x1  }
0xba: {  	[sflag:s29] =	ssyncadd.s32 $0xFFFFFFFF  }
0xbb: {  	_ =	strace $0x90000048  }
0xbc: {  	_ =	sfence  }
0xbd: {  	s30 =	sld [smem:$0x0];
	_ =	sdelay $0x2  }
0xbe: {  	s31 =	sshll.u32 s1, $0xD;
	s1 =	sshrl.u32 s1, $0x2  }
0xbf: {  	s3 =	sand.u32 $0x4000, s31;
	s1 =	sadd.s32 s1, s30  }
0xc0: {  	s0 =	sor.u32 s3, s0;
	s1 =	sshll.u32 s1, $0x11  }
0xc1: {  	s0 =	sor.u32 s1, s0  }
0xc2: {  	s0 =	sadd.s32 $0x8F2B, s0  }
0xc3: {  	[sflag:s0] =	ssyncadd.remote.s32 $0x1  }
0xc4: {  	_ =	sfence.sel $0xFFFF  }
0xc5: {  	[dreg:$0x0] =	wrdreg $0xFFFFFFFF;
	(pc) =	sbr.abs _section_cstart, $3  }
0xc6: {  	[dreg:$0x1] =	wrdreg $0xFFFFFFFF  }
0xc7: {  	_ =	task.clear_ibuf [dreg:s7], $0x2FFFF;
	_ =	strace $0x9FFFFFFF  }
0xc8: {  	(tm) =	ssettm $0x7FFFFFFF  }
0xc9: {  	_ =	shalt  }
tec
execute0_lowered:
.L_overlay_start_1:
0x0: {  	(tag) =	ssettag $0x1  }
0x1: {  	s0 =	srdreg.scid  }
0x2: {  	s1 =	rddreg [dreg:$0x0];
	s2 =	stileid.u32  }
0x3: {  	s4 =	rddreg [dreg:$0x1];
	s25 =	simm.s32 $0x80;
	s26 =	simm.s32 $0x100  }
0x4: {  	s8 =	simm.s32 $0x1;
	s15 =	simm.s32 $0x2;
	s20 =	simm.s32 $0x2980  }
0x5: {  	s21 =	simm.s32 $0x3180;
	s22 =	simm.s32 $0x3980;
	s28 =	simm.s32 $0x6180  }
0x6: {  	s29 =	simm.s32 $0x6980;
	s30 =	simm.s32 $0x7180;
	s31 =	simm.s32 $0x7980  }
0x7: {  	s9 =	simm.s32 $0x9980;
	s10 =	simm.s32 $0xA180;
	s11 =	simm.s32 $0xA980  }
0x8: {  	s12 =	simm.s32 $0xB180;
	s13 =	simm.s32 $0xB980;
	s14 =	simm.s32 $0xC180  }
0x9: {  	s0 =	sand.u32 $0x1, s0;
	s3 =	sshll.u32 s2, $0x8;
	s2 =	simm.s32 $0x0  }
0xa: {  	s5 =	sshll.u32 s0, $0x7;
	[smem:$0x7FF] =	sst s2;
	s0 =	ssub.s32 $0x2, s0  }
0xb: {  	s3 =	sor.u32 s5, s3;
	_ =	strace $0x80000047;
	[dreg:$0x6] =	wrdreg s25  }
0xc: {  	s23 =	sshrl.u32 s0, $0x1;
	[dreg:$0x7] =	wrdreg s26;
	s25 =	simm.s32 $0x5180  }
0xd: {  	s26 =	simm.s32 $0x5980;
	s5 =	sshll.u32 s3, $0x6;
	s6 =	sshrl.u32 s3, $0x3  }
0xe: {  	s3 =	sadd.s32 $0x41800, s1;
	s5 =	sadd.s32 s5, s1;
	s6 =	sadd.s32 s4, s6  }
0xf: {  	s0 =	ssub.s32 s0, s23;
	s5 =	sadd.s32 $0x1800, s5;
	[dreg:$0x8] =	wrdreg s6  }
0x10: {  	v2 =	vlaneseq.u32;
	s23 =	simm.s32 $0x4180;
	s4 =	sadd.s32 $0x200, s6;
	[dreg:$0x3] =	wrdreg s5  }
0x11: {  	vm0 =	vmmov $0xffff;
	v1 =	vshrl.u32 v2, $0x3;
	s24 =	sadd.s32 $0x400, s6;
	s6 =	smax.u32 s0, $0x1;
	[dreg:$0x4] =	wrdreg s4  }
0x12: {  	v0 =	vand.u32 $0x7, v2;
	v2 =	vor.u32 $0x8, v2;
	v1 =	vmul.u32 $0x8, v1;
	[dreg:$0x5] =	wrdreg s24;
	s5 =	sadd.s32 $0x41900, s1;
	s24 =	simm.s32 $0x4980  }
.LBB2_1:
0x13: {  	s16 =	rddreg [dreg:$0x3]  }
0x14: {  	s19 =	rddreg [dreg:$0x8]  }
0x15: {  	s0 =	simm.s32 $0x180;
	s1 =	rddreg [dreg:$0x4]  }
0x16: {  	[tilespmem:s0], [sflag:$0x1] =	stream.linear.gather [hbm4b:s16+s2], $0x10000, $0x38;
	[tilespmem:$0x10180] =	vst v63  }
0x17: {  	s17 =	rddreg [dreg:$0x6]  }
0x18: {  	[tilespmem:s2], [sflag:$0x1] =	stream.linear.gather [hbm4b:s19+s2], $0x80, $0x38;
	[tilespmem:$0x10180] =	vst v63  }
0x19: {  	s18 =	rddreg [dreg:$0x5]  }
0x1a: {  	[tilespmem:s17], [sflag:$0x1] =	stream.linear.gather [hbm4b:s1+s2], $0x80, $0x38;
	[tilespmem:$0x10180] =	vst v63  }
0x1b: {  	s19 =	rddreg [dreg:$0x7]  }
0x1c: {  	[tilespmem:s19], [sflag:$0x1] =	stream.linear.gather [hbm4b:s18+s2], $0x80, $0x38;
	[tilespmem:$0x10180] =	vst v63  }
0x1d: {  	_ =	swait.ge [sflag:s8], $0x10000  }
0x1e: {  	[sflag:s8] =	ssyncset.done $0x0  }
0x1f: {  	[sflag:s8] =	ssyncadd.s32 $0xFFFF0000  }
0x20: {  	_ =	swait.ge [sflag:s8], $0x80  }
0x21: {  	[sflag:s8] =	ssyncset.done $0x0  }
0x22: {  	[sflag:s8] =	ssyncadd.s32 $0xFFFFFF80  }
0x23: {  	_ =	swait.ge [sflag:s8], $0x80  }
0x24: {  	[sflag:s8] =	ssyncset.done $0x0  }
0x25: {  	[sflag:s8] =	ssyncadd.s32 $0xFFFFFF80  }
0x26: {  	_ =	swait.ge [sflag:s8], $0x80  }
0x27: {  	[sflag:s8] =	ssyncset.done $0x0  }
0x28: {  	[sflag:s8] =	ssyncadd.s32 $0xFFFFFF80  }
0x29: {  	v3 =	vld [tilespmem:$0x0];
	_ =	sdelay $0x4  }
0x2a: {  	v4 =	vshll.u32 v3, $0x2  }
0x2b: {  	v3 =	vand.u32 $0x7, v3;
	v4 =	vand.u32 $0xFFFFFFE0, v4  }
0x2c: {  	v3 =	vor.u32 v3, v4  }
0x2d: {  	v4 =	vperm.xlane v3, v0;
	_ =	sdelay $0x1  }
0x2e: {  	v4 =	vadd.s32 v1, v4;
	_ =	sdelay $0x1  }
0x2f: {  	v3 =	vperm.xlane v3, v2;
	_ =	sdelay $0x1  }
0x30: {  	v3 =	vadd.s32 v1, v3  }
0x31: {  	[hbm4b:s3+s2] =	stream.indirect_vreg.scatter [tilespmem:s0], [sflag:$0x2], $0x80, v4, vm0, $0xb8;
	[tilespmem:$0x10180] =	vst v63  }
0x32: {  	s16 =	simm.s32 $0x980  }
0x33: {  	[hbm4b:s5+s2] =	stream.indirect_vreg.scatter [tilespmem:s16], [sflag:$0x2], $0x80, v4, vm0, $0xb8;
	[tilespmem:$0x10180] =	vst v63  }
0x34: {  	s17 =	simm.s32 $0x1180  }
0x35: {  	[hbm4b:s3+s2] =	stream.indirect_vreg.scatter [tilespmem:s17], [sflag:$0x2], $0x80, v3, vm0, $0xb8;
	[tilespmem:$0x10180] =	vst v63  }
0x36: {  	s18 =	simm.s32 $0x1980  }
0x37: {  	[hbm4b:s5+s2] =	stream.indirect_vreg.scatter [tilespmem:s18], [sflag:$0x2], $0x80, v3, vm0, $0xb8;
	[tilespmem:$0x10180] =	vst v63  }
0x38: {  	v3 =	vld [tilespmem:$0x10];
	_ =	sdelay $0x4  }
0x39: {  	v41 =	vshll.u32 v3, $0x2  }
0x3a: {  	v3 =	vand.u32 $0x7, v3;
	v4 =	vand.u32 $0xFFFFFFE0, v41  }
0x3b: {  	v3 =	vor.u32 v3, v4  }
0x3c: {  	v4 =	vperm.xlane v3, v0;
	_ =	sdelay $0x1  }
0x3d: {  	v4 =	vadd.s32 v1, v4;
	_ =	sdelay $0x1  }
0x3e: {  	v3 =	vperm.xlane v3, v2;
	_ =	sdelay $0x1  }
0x3f: {  	s19 =	simm.s32 $0x2180;
	v3 =	vadd.s32 v1, v3  }
0x40: {  	[hbm4b:s3+s2] =	stream.indirect_vreg.scatter [tilespmem:s19], [sflag:$0x2], $0x80, v4, vm0, $0xb8;
	[tilespmem:$0x10180] =	vst v63  }
0x41: {  	_ = 	snop  }
0x42: {  	[hbm4b:s5+s2] =	stream.indirect_vreg.scatter [tilespmem:s20], [sflag:$0x2], $0x80, v4, vm0, $0xb8;
	[tilespmem:$0x10180] =	vst v63  }
0x43: {  	_ = 	snop  }
0x44: {  	[hbm4b:s3+s2] =	stream.indirect_vreg.scatter [tilespmem:s21], [sflag:$0x2], $0x80, v3, vm0, $0xb8;
	[tilespmem:$0x10180] =	vst v63  }
0x45: {  	_ = 	snop  }
0x46: {  	[hbm4b:s5+s2] =	stream.indirect_vreg.scatter [tilespmem:s22], [sflag:$0x2], $0x80, v3, vm0, $0xb8;
	[tilespmem:$0x10180] =	vst v63  }
0x47: {  	v3 =	vld [tilespmem:$0x20];
	_ =	sdelay $0x4  }
0x48: {  	v42 =	vshll.u32 v3, $0x2  }
0x49: {  	v3 =	vand.u32 $0x7, v3;
	v4 =	vand.u32 $0xFFFFFFE0, v42  }
0x4a: {  	v3 =	vor.u32 v3, v4  }
0x4b: {  	v4 =	vperm.xlane v3, v0;
	_ =	sdelay $0x1  }
0x4c: {  	v4 =	vadd.s32 v1, v4;
	_ =	sdelay $0x1  }
0x4d: {  	v3 =	vperm.xlane v3, v2;
	_ =	sdelay $0x1  }
0x4e: {  	v3 =	vadd.s32 v1, v3  }
0x4f: {  	[hbm4b:s3+s2] =	stream.indirect_vreg.scatter [tilespmem:s23], [sflag:$0x2], $0x80, v4, vm0, $0xb8;
	[tilespmem:$0x10180] =	vst v63  }
0x50: {  	_ = 	snop  }
0x51: {  	[hbm4b:s5+s2] =	stream.indirect_vreg.scatter [tilespmem:s24], [sflag:$0x2], $0x80, v4, vm0, $0xb8;
	[tilespmem:$0x10180] =	vst v63  }
0x52: {  	_ = 	snop  }
0x53: {  	[hbm4b:s3+s2] =	stream.indirect_vreg.scatter [tilespmem:s25], [sflag:$0x2], $0x80, v3, vm0, $0xb8;
	[tilespmem:$0x10180] =	vst v63  }
0x54: {  	_ = 	snop  }
0x55: {  	[hbm4b:s5+s2] =	stream.indirect_vreg.scatter [tilespmem:s26], [sflag:$0x2], $0x80, v3, vm0, $0xb8;
	[tilespmem:$0x10180] =	vst v63  }
0x56: {  	v3 =	vld [tilespmem:$0x30];
	_ =	sdelay $0x4  }
0x57: {  	v43 =	vshll.u32 v3, $0x2  }
0x58: {  	v3 =	vand.u32 $0x7, v3;
	v4 =	vand.u32 $0xFFFFFFE0, v43  }
0x59: {  	v3 =	vor.u32 v3, v4  }
0x5a: {  	v4 =	vperm.xlane v3, v0;
	_ =	sdelay $0x1  }
0x5b: {  	v4 =	vadd.s32 v1, v4;
	_ =	sdelay $0x1  }
0x5c: {  	v3 =	vperm.xlane v3, v2;
	_ =	sdelay $0x1  }
0x5d: {  	v3 =	vadd.s32 v1, v3  }
0x5e: {  	[hbm4b:s3+s2] =	stream.indirect_vreg.scatter [tilespmem:s28], [sflag:$0x2], $0x80, v4, vm0, $0xb8;
	[tilespmem:$0x10180] =	vst v63  }
0x5f: {  	_ = 	snop  }
0x60: {  	[hbm4b:s5+s2] =	stream.indirect_vreg.scatter [tilespmem:s29], [sflag:$0x2], $0x80, v4, vm0, $0xb8;
	[tilespmem:$0x10180] =	vst v63  }
0x61: {  	_ = 	snop  }
0x62: {  	[hbm4b:s3+s2] =	stream.indirect_vreg.scatter [tilespmem:s30], [sflag:$0x2], $0x80, v3, vm0, $0xb8;
	[tilespmem:$0x10180] =	vst v63  }
0x63: {  	_ = 	snop  }
0x64: {  	[hbm4b:s5+s2] =	stream.indirect_vreg.scatter [tilespmem:s31], [sflag:$0x2], $0x80, v3, vm0, $0xb8;
	[tilespmem:$0x10180] =	vst v63  }
0x65: {  	v3 =	vld [tilespmem:$0x40];
	_ =	sdelay $0x4  }
0x66: {  	v44 =	vshll.u32 v3, $0x2  }
0x67: {  	v3 =	vand.u32 $0x7, v3;
	v4 =	vand.u32 $0xFFFFFFE0, v44  }
0x68: {  	v3 =	vor.u32 v3, v4  }
0x69: {  	v4 =	vperm.xlane v3, v0;
	_ =	sdelay $0x1  }
0x6a: {  	v4 =	vadd.s32 v1, v4;
	_ =	sdelay $0x1  }
0x6b: {  	v3 =	vperm.xlane v3, v2;
	_ =	sdelay $0x1  }
0x6c: {  	s1 =	simm.s32 $0x8180;
	v3 =	vadd.s32 v1, v3  }
0x6d: {  	[hbm4b:s3+s2] =	stream.indirect_vreg.scatter [tilespmem:s1], [sflag:$0x2], $0x80, v4, vm0, $0xb8;
	[tilespmem:$0x10180] =	vst v63  }
0x6e: {  	s4 =	simm.s32 $0x8980  }
0x6f: {  	[hbm4b:s5+s2] =	stream.indirect_vreg.scatter [tilespmem:s4], [sflag:$0x2], $0x80, v4, vm0, $0xb8;
	[tilespmem:$0x10180] =	vst v63  }
0x70: {  	s4 =	simm.s32 $0x9180  }
0x71: {  	[hbm4b:s3+s2] =	stream.indirect_vreg.scatter [tilespmem:s4], [sflag:$0x2], $0x80, v3, vm0, $0xb8;
	[tilespmem:$0x10180] =	vst v63  }
0x72: {  	_ = 	snop  }
0x73: {  	[hbm4b:s5+s2] =	stream.indirect_vreg.scatter [tilespmem:s9], [sflag:$0x2], $0x80, v3, vm0, $0xb8;
	[tilespmem:$0x10180] =	vst v63  }
0x74: {  	v3 =	vld [tilespmem:$0x50];
	_ =	sdelay $0x4  }
0x75: {  	v45 =	vshll.u32 v3, $0x2  }
0x76: {  	v3 =	vand.u32 $0x7, v3;
	v4 =	vand.u32 $0xFFFFFFE0, v45  }
0x77: {  	v3 =	vor.u32 v3, v4  }
0x78: {  	v4 =	vperm.xlane v3, v0;
	_ =	sdelay $0x1  }
0x79: {  	v4 =	vadd.s32 v1, v4;
	_ =	sdelay $0x1  }
0x7a: {  	v3 =	vperm.xlane v3, v2;
	_ =	sdelay $0x1  }
0x7b: {  	v3 =	vadd.s32 v1, v3  }
0x7c: {  	[hbm4b:s3+s2] =	stream.indirect_vreg.scatter [tilespmem:s10], [sflag:$0x2], $0x80, v4, vm0, $0xb8;
	[tilespmem:$0x10180] =	vst v63  }
0x7d: {  	_ = 	snop  }
0x7e: {  	[hbm4b:s5+s2] =	stream.indirect_vreg.scatter [tilespmem:s11], [sflag:$0x2], $0x80, v4, vm0, $0xb8;
	[tilespmem:$0x10180] =	vst v63  }
0x7f: {  	_ = 	snop  }
0x80: {  	[hbm4b:s3+s2] =	stream.indirect_vreg.scatter [tilespmem:s12], [sflag:$0x2], $0x80, v3, vm0, $0xb8;
	[tilespmem:$0x10180] =	vst v63  }
0x81: {  	_ = 	snop  }
0x82: {  	[hbm4b:s5+s2] =	stream.indirect_vreg.scatter [tilespmem:s13], [sflag:$0x2], $0x80, v3, vm0, $0xb8;
	[tilespmem:$0x10180] =	vst v63  }
0x83: {  	v3 =	vld [tilespmem:$0x60];
	_ =	sdelay $0x4  }
0x84: {  	v46 =	vshll.u32 v3, $0x2  }
0x85: {  	v3 =	vand.u32 $0x7, v3;
	v4 =	vand.u32 $0xFFFFFFE0, v46  }
0x86: {  	v3 =	vor.u32 v3, v4  }
0x87: {  	v4 =	vperm.xlane v3, v0;
	_ =	sdelay $0x1  }
0x88: {  	v4 =	vadd.s32 v1, v4;
	_ =	sdelay $0x1  }
0x89: {  	v3 =	vperm.xlane v3, v2;
	_ =	sdelay $0x1  }
0x8a: {  	v3 =	vadd.s32 v1, v3  }
0x8b: {  	[hbm4b:s3+s2] =	stream.indirect_vreg.scatter [tilespmem:s14], [sflag:$0x2], $0x80, v4, vm0, $0xb8;
	[tilespmem:$0x10180] =	vst v63  }
0x8c: {  	s7 =	simm.s32 $0xC980  }
0x8d: {  	[hbm4b:s5+s2] =	stream.indirect_vreg.scatter [tilespmem:s7], [sflag:$0x2], $0x80, v4, vm0, $0xb8;
	[tilespmem:$0x10180] =	vst v63  }
0x8e: {  	s4 =	simm.s32 $0xD180  }
0x8f: {  	[hbm4b:s3+s2] =	stream.indirect_vreg.scatter [tilespmem:s4], [sflag:$0x2], $0x80, v3, vm0, $0xb8;
	[tilespmem:$0x10180] =	vst v63  }
0x90: {  	s4 =	simm.s32 $0xD980  }
0x91: {  	[hbm4b:s5+s2] =	stream.indirect_vreg.scatter [tilespmem:s4], [sflag:$0x2], $0x80, v3, vm0, $0xb8;
	[tilespmem:$0x10180] =	vst v63  }
0x92: {  	v3 =	vld [tilespmem:$0x70];
	_ =	sdelay $0x4  }
0x93: {  	v47 =	vshll.u32 v3, $0x2  }
0x94: {  	v3 =	vand.u32 $0x7, v3;
	v4 =	vand.u32 $0xFFFFFFE0, v47  }
0x95: {  	v3 =	vor.u32 v3, v4  }
0x96: {  	v4 =	vperm.xlane v3, v0;
	_ =	sdelay $0x1  }
0x97: {  	v4 =	vadd.s32 v1, v4;
	_ =	sdelay $0x1  }
0x98: {  	v3 =	vperm.xlane v3, v2;
	_ =	sdelay $0x1  }
0x99: {  	s1 =	simm.s32 $0xE180;
	v3 =	vadd.s32 v1, v3  }
0x9a: {  	[hbm4b:s3+s2] =	stream.indirect_vreg.scatter [tilespmem:s1], [sflag:$0x2], $0x80, v4, vm0, $0xb8;
	[tilespmem:$0x10180] =	vst v63  }
0x9b: {  	s1 =	simm.s32 $0xE980  }
0x9c: {  	[hbm4b:s5+s2] =	stream.indirect_vreg.scatter [tilespmem:s1], [sflag:$0x2], $0x80, v4, vm0, $0xb8;
	[tilespmem:$0x10180] =	vst v63  }
0x9d: {  	s1 =	simm.s32 $0xF180  }
0x9e: {  	[hbm4b:s3+s2] =	stream.indirect_vreg.scatter [tilespmem:s1], [sflag:$0x2], $0x80, v3, vm0, $0xb8;
	[tilespmem:$0x10180] =	vst v63  }
0x9f: {  	s1 =	simm.s32 $0xF980  }
0xa0: {  	[hbm4b:s5+s2] =	stream.indirect_vreg.scatter [tilespmem:s1], [sflag:$0x2], $0x80, v3, vm0, $0xb8;
	[tilespmem:$0x10180] =	vst v63  }
0xa1: {  	v3 =	vld [tilespmem:$0x80];
	_ =	sdelay $0x4  }
0xa2: {  	v48 =	vshll.u32 v3, $0x2  }
0xa3: {  	v3 =	vand.u32 $0x7, v3;
	v4 =	vand.u32 $0xFFFFFFE0, v48  }
0xa4: {  	v3 =	vor.u32 v3, v4  }
0xa5: {  	v4 =	vperm.xlane v3, v0;
	_ =	sdelay $0x1  }
0xa6: {  	v4 =	vadd.s32 v1, v4;
	_ =	sdelay $0x1  }
0xa7: {  	v3 =	vperm.xlane v3, v2;
	_ =	sdelay $0x1  }
0xa8: {  	v3 =	vadd.s32 v1, v3  }
0xa9: {  	[hbm4b:s3+s2] =	stream.indirect_vreg.scatter [tilespmem:s0], [sflag:$0x2], $0x80, v4, vm0, $0xb8;
	[tilespmem:$0x10180] =	vst v63  }
0xaa: {  	_ = 	snop  }
0xab: {  	[hbm4b:s5+s2] =	stream.indirect_vreg.scatter [tilespmem:s16], [sflag:$0x2], $0x80, v4, vm0, $0xb8;
	[tilespmem:$0x10180] =	vst v63  }
0xac: {  	_ = 	snop  }
0xad: {  	[hbm4b:s3+s2] =	stream.indirect_vreg.scatter [tilespmem:s17], [sflag:$0x2], $0x80, v3, vm0, $0xb8;
	[tilespmem:$0x10180] =	vst v63  }
0xae: {  	_ = 	snop  }
0xaf: {  	[hbm4b:s5+s2] =	stream.indirect_vreg.scatter [tilespmem:s18], [sflag:$0x2], $0x80, v3, vm0, $0xb8;
	[tilespmem:$0x10180] =	vst v63  }
0xb0: {  	v3 =	vld [tilespmem:$0x90];
	_ =	sdelay $0x4  }
0xb1: {  	v49 =	vshll.u32 v3, $0x2  }
0xb2: {  	v3 =	vand.u32 $0x7, v3;
	v4 =	vand.u32 $0xFFFFFFE0, v49  }
0xb3: {  	v3 =	vor.u32 v3, v4  }
0xb4: {  	v4 =	vperm.xlane v3, v0;
	_ =	sdelay $0x1  }
0xb5: {  	v4 =	vadd.s32 v1, v4;
	_ =	sdelay $0x1  }
0xb6: {  	v3 =	vperm.xlane v3, v2;
	_ =	sdelay $0x1  }
0xb7: {  	v3 =	vadd.s32 v1, v3  }
0xb8: {  	[hbm4b:s3+s2] =	stream.indirect_vreg.scatter [tilespmem:s19], [sflag:$0x2], $0x80, v4, vm0, $0xb8;
	[tilespmem:$0x10180] =	vst v63  }
0xb9: {  	_ = 	snop  }
0xba: {  	[hbm4b:s5+s2] =	stream.indirect_vreg.scatter [tilespmem:s20], [sflag:$0x2], $0x80, v4, vm0, $0xb8;
	[tilespmem:$0x10180] =	vst v63  }
0xbb: {  	_ = 	snop  }
0xbc: {  	[hbm4b:s3+s2] =	stream.indirect_vreg.scatter [tilespmem:s21], [sflag:$0x2], $0x80, v3, vm0, $0xb8;
	[tilespmem:$0x10180] =	vst v63  }
0xbd: {  	_ = 	snop  }
0xbe: {  	[hbm4b:s5+s2] =	stream.indirect_vreg.scatter [tilespmem:s22], [sflag:$0x2], $0x80, v3, vm0, $0xb8;
	[tilespmem:$0x10180] =	vst v63  }
0xbf: {  	v3 =	vld [tilespmem:$0xA0];
	_ =	sdelay $0x4  }
0xc0: {  	v50 =	vshll.u32 v3, $0x2  }
0xc1: {  	v3 =	vand.u32 $0x7, v3;
	v4 =	vand.u32 $0xFFFFFFE0, v50  }
0xc2: {  	v3 =	vor.u32 v3, v4  }
0xc3: {  	v4 =	vperm.xlane v3, v0;
	_ =	sdelay $0x1  }
0xc4: {  	v4 =	vadd.s32 v1, v4;
	_ =	sdelay $0x1  }
0xc5: {  	v3 =	vperm.xlane v3, v2;
	_ =	sdelay $0x1  }
0xc6: {  	v3 =	vadd.s32 v1, v3  }
0xc7: {  	[hbm4b:s3+s2] =	stream.indirect_vreg.scatter [tilespmem:s23], [sflag:$0x2], $0x80, v4, vm0, $0xb8;
	[tilespmem:$0x10180] =	vst v63  }
0xc8: {  	_ = 	snop  }
0xc9: {  	[hbm4b:s5+s2] =	stream.indirect_vreg.scatter [tilespmem:s24], [sflag:$0x2], $0x80, v4, vm0, $0xb8;
	[tilespmem:$0x10180] =	vst v63  }
0xca: {  	_ = 	snop  }
0xcb: {  	[hbm4b:s3+s2] =	stream.indirect_vreg.scatter [tilespmem:s25], [sflag:$0x2], $0x80, v3, vm0, $0xb8;
	[tilespmem:$0x10180] =	vst v63  }
0xcc: {  	_ = 	snop  }
0xcd: {  	[hbm4b:s5+s2] =	stream.indirect_vreg.scatter [tilespmem:s26], [sflag:$0x2], $0x80, v3, vm0, $0xb8;
	[tilespmem:$0x10180] =	vst v63  }
0xce: {  	v3 =	vld [tilespmem:$0xB0];
	_ =	sdelay $0x4  }
0xcf: {  	v51 =	vshll.u32 v3, $0x2  }
0xd0: {  	v3 =	vand.u32 $0x7, v3;
	v4 =	vand.u32 $0xFFFFFFE0, v51  }
0xd1: {  	v3 =	vor.u32 v3, v4  }
0xd2: {  	v4 =	vperm.xlane v3, v0;
	_ =	sdelay $0x1  }
0xd3: {  	v4 =	vadd.s32 v1, v4;
	_ =	sdelay $0x1  }
0xd4: {  	v3 =	vperm.xlane v3, v2;
	_ =	sdelay $0x1  }
0xd5: {  	v3 =	vadd.s32 v1, v3  }
0xd6: {  	[hbm4b:s3+s2] =	stream.indirect_vreg.scatter [tilespmem:s28], [sflag:$0x2], $0x80, v4, vm0, $0xb8;
	[tilespmem:$0x10180] =	vst v63  }
0xd7: {  	_ = 	snop  }
0xd8: {  	[hbm4b:s5+s2] =	stream.indirect_vreg.scatter [tilespmem:s29], [sflag:$0x2], $0x80, v4, vm0, $0xb8;
	[tilespmem:$0x10180] =	vst v63  }
0xd9: {  	_ = 	snop  }
0xda: {  	[hbm4b:s3+s2] =	stream.indirect_vreg.scatter [tilespmem:s30], [sflag:$0x2], $0x80, v3, vm0, $0xb8;
	[tilespmem:$0x10180] =	vst v63  }
0xdb: {  	_ = 	snop  }
0xdc: {  	[hbm4b:s5+s2] =	stream.indirect_vreg.scatter [tilespmem:s31], [sflag:$0x2], $0x80, v3, vm0, $0xb8;
	[tilespmem:$0x10180] =	vst v63  }
0xdd: {  	v3 =	vld [tilespmem:$0xC0];
	_ =	sdelay $0x4  }
0xde: {  	v52 =	vshll.u32 v3, $0x2  }
0xdf: {  	v3 =	vand.u32 $0x7, v3;
	v4 =	vand.u32 $0xFFFFFFE0, v52  }
0xe0: {  	v3 =	vor.u32 v3, v4  }
0xe1: {  	v4 =	vperm.xlane v3, v0;
	_ =	sdelay $0x1  }
0xe2: {  	v4 =	vadd.s32 v1, v4;
	_ =	sdelay $0x1  }
0xe3: {  	v3 =	vperm.xlane v3, v2;
	_ =	sdelay $0x1  }
0xe4: {  	s1 =	simm.s32 $0x8180;
	v3 =	vadd.s32 v1, v3  }
0xe5: {  	[hbm4b:s3+s2] =	stream.indirect_vreg.scatter [tilespmem:s1], [sflag:$0x2], $0x80, v4, vm0, $0xb8;
	[tilespmem:$0x10180] =	vst v63  }
0xe6: {  	s1 =	simm.s32 $0x8980  }
0xe7: {  	[hbm4b:s5+s2] =	stream.indirect_vreg.scatter [tilespmem:s1], [sflag:$0x2], $0x80, v4, vm0, $0xb8;
	[tilespmem:$0x10180] =	vst v63  }
0xe8: {  	s1 =	simm.s32 $0x9180  }
0xe9: {  	[hbm4b:s3+s2] =	stream.indirect_vreg.scatter [tilespmem:s1], [sflag:$0x2], $0x80, v3, vm0, $0xb8;
	[tilespmem:$0x10180] =	vst v63  }
0xea: {  	_ = 	snop  }
0xeb: {  	[hbm4b:s5+s2] =	stream.indirect_vreg.scatter [tilespmem:s9], [sflag:$0x2], $0x80, v3, vm0, $0xb8;
	[tilespmem:$0x10180] =	vst v63  }
0xec: {  	v3 =	vld [tilespmem:$0xD0];
	_ =	sdelay $0x4  }
0xed: {  	v53 =	vshll.u32 v3, $0x2  }
0xee: {  	v3 =	vand.u32 $0x7, v3;
	v4 =	vand.u32 $0xFFFFFFE0, v53  }
0xef: {  	v3 =	vor.u32 v3, v4  }
0xf0: {  	v4 =	vperm.xlane v3, v0;
	_ =	sdelay $0x1  }
0xf1: {  	v4 =	vadd.s32 v1, v4;
	_ =	sdelay $0x1  }
0xf2: {  	v3 =	vperm.xlane v3, v2;
	_ =	sdelay $0x1  }
0xf3: {  	v3 =	vadd.s32 v1, v3  }
0xf4: {  	[hbm4b:s3+s2] =	stream.indirect_vreg.scatter [tilespmem:s10], [sflag:$0x2], $0x80, v4, vm0, $0xb8;
	[tilespmem:$0x10180] =	vst v63  }
0xf5: {  	_ = 	snop  }
0xf6: {  	[hbm4b:s5+s2] =	stream.indirect_vreg.scatter [tilespmem:s11], [sflag:$0x2], $0x80, v4, vm0, $0xb8;
	[tilespmem:$0x10180] =	vst v63  }
0xf7: {  	_ = 	snop  }
0xf8: {  	[hbm4b:s3+s2] =	stream.indirect_vreg.scatter [tilespmem:s12], [sflag:$0x2], $0x80, v3, vm0, $0xb8;
	[tilespmem:$0x10180] =	vst v63  }
0xf9: {  	_ = 	snop  }
0xfa: {  	[hbm4b:s5+s2] =	stream.indirect_vreg.scatter [tilespmem:s13], [sflag:$0x2], $0x80, v3, vm0, $0xb8;
	[tilespmem:$0x10180] =	vst v63  }
0xfb: {  	v3 =	vld [tilespmem:$0xE0];
	_ =	sdelay $0x4  }
0xfc: {  	v54 =	vshll.u32 v3, $0x2  }
0xfd: {  	v3 =	vand.u32 $0x7, v3;
	v4 =	vand.u32 $0xFFFFFFE0, v54  }
0xfe: {  	v3 =	vor.u32 v3, v4  }
0xff: {  	v4 =	vperm.xlane v3, v0;
	_ =	sdelay $0x1  }
0x100: {  	v4 =	vadd.s32 v1, v4;
	_ =	sdelay $0x1  }
0x101: {  	v3 =	vperm.xlane v3, v2;
	_ =	sdelay $0x1  }
0x102: {  	v3 =	vadd.s32 v1, v3  }
0x103: {  	[hbm4b:s3+s2] =	stream.indirect_vreg.scatter [tilespmem:s14], [sflag:$0x2], $0x80, v4, vm0, $0xb8;
	[tilespmem:$0x10180] =	vst v63  }
0x104: {  	s7 =	simm.s32 $0xC980  }
0x105: {  	[hbm4b:s5+s2] =	stream.indirect_vreg.scatter [tilespmem:s7], [sflag:$0x2], $0x80, v4, vm0, $0xb8;
	[tilespmem:$0x10180] =	vst v63  }
0x106: {  	s1 =	simm.s32 $0xD180  }
0x107: {  	[hbm4b:s3+s2] =	stream.indirect_vreg.scatter [tilespmem:s1], [sflag:$0x2], $0x80, v3, vm0, $0xb8;
	[tilespmem:$0x10180] =	vst v63  }
0x108: {  	s4 =	simm.s32 $0xD980  }
0x109: {  	[hbm4b:s5+s2] =	stream.indirect_vreg.scatter [tilespmem:s4], [sflag:$0x2], $0x80, v3, vm0, $0xb8;
	[tilespmem:$0x10180] =	vst v63  }
0x10a: {  	v3 =	vld [tilespmem:$0xF0];
	_ =	sdelay $0x4  }
0x10b: {  	v55 =	vshll.u32 v3, $0x2  }
0x10c: {  	v3 =	vand.u32 $0x7, v3;
	v4 =	vand.u32 $0xFFFFFFE0, v55  }
0x10d: {  	v3 =	vor.u32 v3, v4  }
0x10e: {  	v4 =	vperm.xlane v3, v0;
	_ =	sdelay $0x1  }
0x10f: {  	v4 =	vadd.s32 v1, v4;
	_ =	sdelay $0x1  }
0x110: {  	v3 =	vperm.xlane v3, v2;
	_ =	sdelay $0x1  }
0x111: {  	s7 =	simm.s32 $0xE180;
	v3 =	vadd.s32 v1, v3  }
0x112: {  	[hbm4b:s3+s2] =	stream.indirect_vreg.scatter [tilespmem:s7], [sflag:$0x2], $0x80, v4, vm0, $0xb8;
	[tilespmem:$0x10180] =	vst v63  }
0x113: {  	s7 =	simm.s32 $0xE980  }
0x114: {  	[hbm4b:s5+s2] =	stream.indirect_vreg.scatter [tilespmem:s7], [sflag:$0x2], $0x80, v4, vm0, $0xb8;
	[tilespmem:$0x10180] =	vst v63  }
0x115: {  	s4 =	simm.s32 $0xF180  }
0x116: {  	[hbm4b:s3+s2] =	stream.indirect_vreg.scatter [tilespmem:s4], [sflag:$0x2], $0x80, v3, vm0, $0xb8;
	[tilespmem:$0x10180] =	vst v63  }
0x117: {  	s7 =	simm.s32 $0xF980  }
0x118: {  	[hbm4b:s5+s2] =	stream.indirect_vreg.scatter [tilespmem:s7], [sflag:$0x2], $0x80, v3, vm0, $0xb8;
	[tilespmem:$0x10180] =	vst v63  }
0x119: {  	v3 =	vld [tilespmem:$0x100];
	_ =	sdelay $0x4  }
0x11a: {  	v56 =	vshll.u32 v3, $0x2  }
0x11b: {  	v3 =	vand.u32 $0x7, v3;
	v4 =	vand.u32 $0xFFFFFFE0, v56  }
0x11c: {  	v3 =	vor.u32 v3, v4  }
0x11d: {  	v4 =	vperm.xlane v3, v0;
	_ =	sdelay $0x1  }
0x11e: {  	v4 =	vadd.s32 v1, v4;
	_ =	sdelay $0x1  }
0x11f: {  	v3 =	vperm.xlane v3, v2;
	_ =	sdelay $0x1  }
0x120: {  	v3 =	vadd.s32 v1, v3  }
0x121: {  	[hbm4b:s3+s2] =	stream.indirect_vreg.scatter [tilespmem:s0], [sflag:$0x2], $0x80, v4, vm0, $0xb8;
	[tilespmem:$0x10180] =	vst v63  }
0x122: {  	_ = 	snop  }
0x123: {  	[hbm4b:s5+s2] =	stream.indirect_vreg.scatter [tilespmem:s16], [sflag:$0x2], $0x80, v4, vm0, $0xb8;
	[tilespmem:$0x10180] =	vst v63  }
0x124: {  	_ = 	snop  }
0x125: {  	[hbm4b:s3+s2] =	stream.indirect_vreg.scatter [tilespmem:s17], [sflag:$0x2], $0x80, v3, vm0, $0xb8;
	[tilespmem:$0x10180] =	vst v63  }
0x126: {  	_ = 	snop  }
0x127: {  	[hbm4b:s5+s2] =	stream.indirect_vreg.scatter [tilespmem:s18], [sflag:$0x2], $0x80, v3, vm0, $0xb8;
	[tilespmem:$0x10180] =	vst v63  }
0x128: {  	v3 =	vld [tilespmem:$0x110];
	_ =	sdelay $0x4  }
0x129: {  	v57 =	vshll.u32 v3, $0x2  }
0x12a: {  	v3 =	vand.u32 $0x7, v3;
	v4 =	vand.u32 $0xFFFFFFE0, v57  }
0x12b: {  	v3 =	vor.u32 v3, v4  }
0x12c: {  	v4 =	vperm.xlane v3, v0;
	_ =	sdelay $0x1  }
0x12d: {  	v4 =	vadd.s32 v1, v4;
	_ =	sdelay $0x1  }
0x12e: {  	v3 =	vperm.xlane v3, v2;
	_ =	sdelay $0x1  }
0x12f: {  	v3 =	vadd.s32 v1, v3  }
0x130: {  	[hbm4b:s3+s2] =	stream.indirect_vreg.scatter [tilespmem:s19], [sflag:$0x2], $0x80, v4, vm0, $0xb8;
	[tilespmem:$0x10180] =	vst v63  }
0x131: {  	_ = 	snop  }
0x132: {  	[hbm4b:s5+s2] =	stream.indirect_vreg.scatter [tilespmem:s20], [sflag:$0x2], $0x80, v4, vm0, $0xb8;
	[tilespmem:$0x10180] =	vst v63  }
0x133: {  	_ = 	snop  }
0x134: {  	[hbm4b:s3+s2] =	stream.indirect_vreg.scatter [tilespmem:s21], [sflag:$0x2], $0x80, v3, vm0, $0xb8;
	[tilespmem:$0x10180] =	vst v63  }
0x135: {  	_ = 	snop  }
0x136: {  	[hbm4b:s5+s2] =	stream.indirect_vreg.scatter [tilespmem:s22], [sflag:$0x2], $0x80, v3, vm0, $0xb8;
	[tilespmem:$0x10180] =	vst v63  }
0x137: {  	v3 =	vld [tilespmem:$0x120];
	_ =	sdelay $0x4  }
0x138: {  	v58 =	vshll.u32 v3, $0x2  }
0x139: {  	v3 =	vand.u32 $0x7, v3;
	v4 =	vand.u32 $0xFFFFFFE0, v58  }
0x13a: {  	v3 =	vor.u32 v3, v4  }
0x13b: {  	v4 =	vperm.xlane v3, v0;
	_ =	sdelay $0x1  }
0x13c: {  	v4 =	vadd.s32 v1, v4;
	_ =	sdelay $0x1  }
0x13d: {  	v3 =	vperm.xlane v3, v2;
	_ =	sdelay $0x1  }
0x13e: {  	v3 =	vadd.s32 v1, v3  }
0x13f: {  	[hbm4b:s3+s2] =	stream.indirect_vreg.scatter [tilespmem:s23], [sflag:$0x2], $0x80, v4, vm0, $0xb8;
	[tilespmem:$0x10180] =	vst v63  }
0x140: {  	_ = 	snop  }
0x141: {  	[hbm4b:s5+s2] =	stream.indirect_vreg.scatter [tilespmem:s24], [sflag:$0x2], $0x80, v4, vm0, $0xb8;
	[tilespmem:$0x10180] =	vst v63  }
0x142: {  	_ = 	snop  }
0x143: {  	[hbm4b:s3+s2] =	stream.indirect_vreg.scatter [tilespmem:s25], [sflag:$0x2], $0x80, v3, vm0, $0xb8;
	[tilespmem:$0x10180] =	vst v63  }
0x144: {  	_ = 	snop  }
0x145: {  	[hbm4b:s5+s2] =	stream.indirect_vreg.scatter [tilespmem:s26], [sflag:$0x2], $0x80, v3, vm0, $0xb8;
	[tilespmem:$0x10180] =	vst v63  }
0x146: {  	v3 =	vld [tilespmem:$0x130];
	_ =	sdelay $0x4  }
0x147: {  	v59 =	vshll.u32 v3, $0x2  }
0x148: {  	v3 =	vand.u32 $0x7, v3;
	v4 =	vand.u32 $0xFFFFFFE0, v59  }
0x149: {  	v3 =	vor.u32 v3, v4  }
0x14a: {  	v4 =	vperm.xlane v3, v0;
	_ =	sdelay $0x1  }
0x14b: {  	v4 =	vadd.s32 v1, v4;
	_ =	sdelay $0x1  }
0x14c: {  	v3 =	vperm.xlane v3, v2;
	_ =	sdelay $0x1  }
0x14d: {  	v3 =	vadd.s32 v1, v3  }
0x14e: {  	[hbm4b:s3+s2] =	stream.indirect_vreg.scatter [tilespmem:s28], [sflag:$0x2], $0x80, v4, vm0, $0xb8;
	[tilespmem:$0x10180] =	vst v63  }
0x14f: {  	_ = 	snop  }
0x150: {  	[hbm4b:s5+s2] =	stream.indirect_vreg.scatter [tilespmem:s29], [sflag:$0x2], $0x80, v4, vm0, $0xb8;
	[tilespmem:$0x10180] =	vst v63  }
0x151: {  	_ = 	snop  }
0x152: {  	[hbm4b:s3+s2] =	stream.indirect_vreg.scatter [tilespmem:s30], [sflag:$0x2], $0x80, v3, vm0, $0xb8;
	[tilespmem:$0x10180] =	vst v63  }
0x153: {  	_ = 	snop  }
0x154: {  	[hbm4b:s5+s2] =	stream.indirect_vreg.scatter [tilespmem:s31], [sflag:$0x2], $0x80, v3, vm0, $0xb8;
	[tilespmem:$0x10180] =	vst v63  }
0x155: {  	v3 =	vld [tilespmem:$0x140];
	_ =	sdelay $0x4  }
0x156: {  	v60 =	vshll.u32 v3, $0x2  }
0x157: {  	v3 =	vand.u32 $0x7, v3;
	v4 =	vand.u32 $0xFFFFFFE0, v60  }
0x158: {  	v3 =	vor.u32 v3, v4  }
0x159: {  	v4 =	vperm.xlane v3, v0;
	_ =	sdelay $0x1  }
0x15a: {  	v4 =	vadd.s32 v1, v4;
	_ =	sdelay $0x1  }
0x15b: {  	v3 =	vperm.xlane v3, v2;
	_ =	sdelay $0x1  }
0x15c: {  	s17 =	simm.s32 $0x8180;
	v3 =	vadd.s32 v1, v3  }
0x15d: {  	[hbm4b:s3+s2] =	stream.indirect_vreg.scatter [tilespmem:s17], [sflag:$0x2], $0x80, v4, vm0, $0xb8;
	[tilespmem:$0x10180] =	vst v63  }
0x15e: {  	s18 =	simm.s32 $0x8980  }
0x15f: {  	[hbm4b:s5+s2] =	stream.indirect_vreg.scatter [tilespmem:s18], [sflag:$0x2], $0x80, v4, vm0, $0xb8;
	[tilespmem:$0x10180] =	vst v63  }
0x160: {  	s19 =	simm.s32 $0x9180  }
0x161: {  	[hbm4b:s3+s2] =	stream.indirect_vreg.scatter [tilespmem:s19], [sflag:$0x2], $0x80, v3, vm0, $0xb8;
	[tilespmem:$0x10180] =	vst v63  }
0x162: {  	_ = 	snop  }
0x163: {  	[hbm4b:s5+s2] =	stream.indirect_vreg.scatter [tilespmem:s9], [sflag:$0x2], $0x80, v3, vm0, $0xb8;
	[tilespmem:$0x10180] =	vst v63  }
0x164: {  	v3 =	vld [tilespmem:$0x150];
	_ =	sdelay $0x4  }
0x165: {  	v61 =	vshll.u32 v3, $0x2  }
0x166: {  	v3 =	vand.u32 $0x7, v3;
	v4 =	vand.u32 $0xFFFFFFE0, v61  }
0x167: {  	v3 =	vor.u32 v3, v4  }
0x168: {  	v4 =	vperm.xlane v3, v0;
	_ =	sdelay $0x1  }
0x169: {  	v4 =	vadd.s32 v1, v4;
	_ =	sdelay $0x1  }
0x16a: {  	v3 =	vperm.xlane v3, v2;
	_ =	sdelay $0x1  }
0x16b: {  	v3 =	vadd.s32 v1, v3  }
0x16c: {  	[hbm4b:s3+s2] =	stream.indirect_vreg.scatter [tilespmem:s10], [sflag:$0x2], $0x80, v4, vm0, $0xb8;
	[tilespmem:$0x10180] =	vst v63  }
0x16d: {  	_ = 	snop  }
0x16e: {  	[hbm4b:s5+s2] =	stream.indirect_vreg.scatter [tilespmem:s11], [sflag:$0x2], $0x80, v4, vm0, $0xb8;
	[tilespmem:$0x10180] =	vst v63  }
0x16f: {  	_ = 	snop  }
0x170: {  	[hbm4b:s3+s2] =	stream.indirect_vreg.scatter [tilespmem:s12], [sflag:$0x2], $0x80, v3, vm0, $0xb8;
	[tilespmem:$0x10180] =	vst v63  }
0x171: {  	_ = 	snop  }
0x172: {  	[hbm4b:s5+s2] =	stream.indirect_vreg.scatter [tilespmem:s13], [sflag:$0x2], $0x80, v3, vm0, $0xb8;
	[tilespmem:$0x10180] =	vst v63  }
0x173: {  	v3 =	vld [tilespmem:$0x160];
	_ =	sdelay $0x4  }
0x174: {  	v62 =	vshll.u32 v3, $0x2  }
0x175: {  	v3 =	vand.u32 $0x7, v3;
	v4 =	vand.u32 $0xFFFFFFE0, v62  }
0x176: {  	v3 =	vor.u32 v3, v4  }
0x177: {  	v4 =	vperm.xlane v3, v0;
	_ =	sdelay $0x1  }
0x178: {  	v4 =	vadd.s32 v1, v4;
	_ =	sdelay $0x1  }
0x179: {  	v3 =	vperm.xlane v3, v2;
	_ =	sdelay $0x1  }
0x17a: {  	v3 =	vadd.s32 v1, v3  }
0x17b: {  	[hbm4b:s3+s2] =	stream.indirect_vreg.scatter [tilespmem:s14], [sflag:$0x2], $0x80, v4, vm0, $0xb8;
	[tilespmem:$0x10180] =	vst v63  }
0x17c: {  	s16 =	simm.s32 $0xC980  }
0x17d: {  	[hbm4b:s5+s2] =	stream.indirect_vreg.scatter [tilespmem:s16], [sflag:$0x2], $0x80, v4, vm0, $0xb8;
	[tilespmem:$0x10180] =	vst v63  }
0x17e: {  	_ = 	snop  }
0x17f: {  	[hbm4b:s3+s2] =	stream.indirect_vreg.scatter [tilespmem:s1], [sflag:$0x2], $0x80, v3, vm0, $0xb8;
	[tilespmem:$0x10180] =	vst v63  }
0x180: {  	s17 =	simm.s32 $0xD980  }
0x181: {  	[hbm4b:s5+s2] =	stream.indirect_vreg.scatter [tilespmem:s17], [sflag:$0x2], $0x80, v3, vm0, $0xb8;
	[tilespmem:$0x10180] =	vst v63  }
0x182: {  	v3 =	vld [tilespmem:$0x170];
	_ =	sdelay $0x4  }
0x183: {  	v63 =	vshll.u32 v3, $0x2  }
0x184: {  	v3 =	vand.u32 $0x7, v3;
	v4 =	vand.u32 $0xFFFFFFE0, v63  }
0x185: {  	v3 =	vor.u32 v3, v4  }
0x186: {  	v4 =	vperm.xlane v3, v0;
	_ =	sdelay $0x1  }
0x187: {  	v4 =	vadd.s32 v1, v4;
	_ =	sdelay $0x1  }
0x188: {  	v3 =	vperm.xlane v3, v2;
	_ =	sdelay $0x1  }
0x189: {  	s18 =	simm.s32 $0xE180;
	v3 =	vadd.s32 v1, v3  }
0x18a: {  	[hbm4b:s3+s2] =	stream.indirect_vreg.scatter [tilespmem:s18], [sflag:$0x2], $0x80, v4, vm0, $0xb8;
	[tilespmem:$0x10180] =	vst v63  }
0x18b: {  	s19 =	simm.s32 $0xE980  }
0x18c: {  	[hbm4b:s5+s2] =	stream.indirect_vreg.scatter [tilespmem:s19], [sflag:$0x2], $0x80, v4, vm0, $0xb8;
	[tilespmem:$0x10180] =	vst v63  }
0x18d: {  	_ = 	snop  }
0x18e: {  	[hbm4b:s3+s2] =	stream.indirect_vreg.scatter [tilespmem:s4], [sflag:$0x2], $0x80, v3, vm0, $0xb8;
	[tilespmem:$0x10180] =	vst v63  }
0x18f: {  	s7 =	simm.s32 $0xF980  }
0x190: {  	[hbm4b:s5+s2] =	stream.indirect_vreg.scatter [tilespmem:s7], [sflag:$0x2], $0x80, v3, vm0, $0xb8;
	[tilespmem:$0x10180] =	vst v63  }
0x191: {  	_ =	swait.ge [sflag:s15], $0x10000  }
0x192: {  	[sflag:s15] =	ssyncset.done $0x0  }
0x193: {  	[sflag:s15] =	ssyncadd.s32 $0xFFFF0000  }
0x194: {  	p0 =	sne.s32 s6, $0x1;
	_ =	swait.ge [sflag:s15], $0x10000  }
.Ltmp0:
0x195: {  	[sflag:s15] =	ssyncset.done $0x0;
	(pc) =	sbr.rel @p0 .LBB2_1-.Ltmp0, $4  }
0x196: {  	[sflag:s15] =	ssyncadd.s32 $0xFFFF0000  }
0x197: {  	_ =	swait.ge [sflag:s15], $0x10000  }
0x198: {  	[sflag:s15] =	ssyncset.done $0x0  }
0x199: {  	s6 =	sadd.s32 $0xFFFFFFFF, s6;
	[sflag:s15] =	ssyncadd.s32 $0xFFFF0000  }
0x19a: {  	_ =	sfence.sel $0x180000  }
0x19b: {  	[bflag:$0x0] =	sbarrier.arrive $0xFFFF  }
0x19c: {  	_ =	strace $0x90000047  }
0x19d: {  	s0 =	stileid.u32;
	[bflag:$0x2] =	sbarrier.arrive $0xFFFF  }
0x19e: {  	p0 =	sne.s32 s0, $0x0;
	s0 =	rddreg [dreg:$0x2]  }
0x19f: {  	s0 =	sadd.s32 @!p0 $0x100000, s0  }
0x1a0: {  	[sflag:s0] =	ssyncadd.tile.s32 @!p0 $0x1;
	_ =	shalt  }
.Lfunc_end2:
_tile_overlayer_lowered:
.L_overlay_start_2:
0x1a1: {  	(tag) =	ssettag $0x2  }
0x1a2: {  	s0 =	rddreg [dreg:$0x0];
	s2 =	stileid.u32  }
0x1a3: {  	s1 =	rddreg [dreg:$0x1];
	p0 =	sne.s32 s2, $0x0  }
0x1a4: {  	s3 =	rddreg [dreg:$0x2];
	[bflag:$0x3] =	sbarrier.arrive $0xFFFF;
	s2 =	simm.s32 @!p0 $0x1C03  }
0x1a5: {  	[timem:s3], [sflag:s2] =	dma.local @!p0 [hbm:s0], s1  }
0x1a6: {  	s0 =	simm.s32 @!p0 $0x3  }
0x1a7: {  	_ =	swait.ge @!p0 [sflag:s0], s1  }
0x1a8: {  	s1 =	ssub.s32 @!p0 $0x0, s1;
	[sflag:s0] =	ssyncset.done @!p0 $0x0  }
0x1a9: {  	[sflag:s0] =	ssyncadd.s32 @!p0 s1  }
0x1aa: {  	[bflag:$0x3] =	sbarrier.arrive $0xFFFF  }
0x1ab: {  	_ =	shalt  }

</sc_bundles>
